<compile_context>
chip_gen: v7x
topology: tpu7x:2x2x1
jax: 0.10.2.dev20260603
libtpu: 0.0.44.dev20260713+nightly
codegen_flags: <defaults>
</compile_context>

<pallas_src>
import functools

import jax
import jax.numpy as jnp
from jax import lax
from jax.experimental import pallas as pl
from jax.experimental.pallas import tpu as pltpu
from jax.experimental.pallas import tpu_sc as plsc

M = 4
IN_DIM = 512
DIM = 256
K = 1024
B = 4096
EPS = 1e-5
BT = 512
NB = B // BT

_SC_INFO = plsc.get_sparse_core_info()
_NC = _SC_INFO.num_cores
_NS = _SC_INFO.num_subcores
_NW = _NC * _NS
_ROWS_PER_W = (M * B) // _NW
_CHUNK = 128
_NCHUNK = _ROWS_PER_W // _CHUNK


def _bn(h, g, b):
    return (h / jnp.sqrt(1.0 + EPS)) * g + b


def _enc_body(x_ref, eW1, eb1, eg1, ebe1, eW2, eb2, eg2, ebe2, eW3, eb3, cbs,
              res_ref, gidx_ref):
    x = x_ref[...]
    for m in range(M):
        h = lax.dot_general(x, eW1[m], (((1,), (1,)), ((), ())),
                            preferred_element_type=jnp.float32) + eb1[m:m + 1, :]
        h = jnp.maximum(_bn(h, eg1[m:m + 1, :], ebe1[m:m + 1, :]), 0.0)
        h = lax.dot_general(h, eW2[m], (((1,), (1,)), ((), ())),
                            preferred_element_type=jnp.float32) + eb2[m:m + 1, :]
        h = jnp.maximum(_bn(h, eg2[m:m + 1, :], ebe2[m:m + 1, :]), 0.0)
        ze = lax.dot_general(h, eW3[m], (((1,), (1,)), ((), ())),
                             preferred_element_type=jnp.float32) + eb3[m:m + 1, :]
        res_ref[m] = ze
        emb = cbs[m]
        a = jnp.sum(ze * ze, axis=1)[:, None]
        bb = jnp.sum(emb * emb, axis=1)[None, :]
        c = lax.dot_general(ze, emb, (((1,), (1,)), ((), ())),
                            preferred_element_type=jnp.float32)
        dist = (a + bb) - 2.0 * c
        minv = jnp.min(dist, axis=1, keepdims=True)
        iota = lax.broadcasted_iota(jnp.int32, (BT, K), 1)
        nn = jnp.min(jnp.where(dist == minv, iota, K), axis=1)
        gidx_ref[m] = nn + m * K


def _dec_body(ce_ref, dW1, db1, dg1, dbe1, dW2, db2, dg2, dbe2, dW3, db3,
              xhat_ref):
    zq = ce_ref[0] + ce_ref[1] + ce_ref[2] + ce_ref[3]
    d = lax.dot_general(zq, dW1[...], (((1,), (1,)), ((), ())),
                        preferred_element_type=jnp.float32) + db1[...]
    d = jnp.maximum(_bn(d, dg1[...], dbe1[...]), 0.0)
    d = lax.dot_general(d, dW2[...], (((1,), (1,)), ((), ())),
                        preferred_element_type=jnp.float32) + db2[...]
    d = jnp.maximum(_bn(d, dg2[...], dbe2[...]), 0.0)
    xhat_ref[...] = lax.dot_general(d, dW3[...], (((1,), (1,)), ((), ())),
                                    preferred_element_type=jnp.float32) + db3[...]


_sc_mesh = plsc.VectorSubcoreMesh(core_axis_name="c", subcore_axis_name="s")


@functools.partial(
    pl.kernel,
    mesh=_sc_mesh,
    out_type=jax.ShapeDtypeStruct((M * B, DIM), jnp.float32),
    scratch_types=[
        pltpu.VMEM((_CHUNK,), jnp.int32),
        pltpu.VMEM((_CHUNK, DIM), jnp.float32),
        pltpu.SemaphoreType.DMA,
    ],
)
def _sc_gather(table_hbm, idx_hbm, out_hbm, idx_v, rows_v, sem):
    wid = lax.axis_index("s") * _NC + lax.axis_index("c")
    base = wid * _ROWS_PER_W
    for j in range(_NCHUNK):
        off = base + j * _CHUNK
        pltpu.sync_copy(idx_hbm.at[pl.ds(off, _CHUNK)], idx_v)
        pltpu.async_copy(table_hbm.at[idx_v], rows_v, sem).wait()
        pltpu.sync_copy(rows_v, out_hbm.at[pl.ds(off, _CHUNK)])


def kernel(x, enc_W1, enc_b1, enc_g1, enc_be1, enc_W2, enc_b2, enc_g2, enc_be2,
           enc_W3, enc_b3, codebooks, dec_W1, dec_b1, dec_g1, dec_be1,
           dec_W2, dec_b2, dec_g2, dec_be2, dec_W3, dec_b3):
    full = lambda shape: pl.BlockSpec(shape, lambda i: (0,) * len(shape))
    res, gidx = pl.pallas_call(
        _enc_body,
        grid=(NB,),
        in_specs=[
            pl.BlockSpec((BT, IN_DIM), lambda i: (i, 0)),
            full((M, 128, IN_DIM)), full((M, 128)), full((M, 128)), full((M, 128)),
            full((M, 256, 128)), full((M, 256)), full((M, 256)), full((M, 256)),
            full((M, DIM, 256)), full((M, DIM)),
            full((M, K, DIM)),
        ],
        out_specs=[
            pl.BlockSpec((M, BT, DIM), lambda i: (0, i, 0)),
            pl.BlockSpec((M, BT), lambda i: (0, i)),
        ],
        out_shape=[
            jax.ShapeDtypeStruct((M, B, DIM), jnp.float32),
            jax.ShapeDtypeStruct((M, B), jnp.int32),
        ],
    )(x, enc_W1, enc_b1, enc_g1, enc_be1, enc_W2, enc_b2, enc_g2, enc_be2,
      enc_W3, enc_b3, codebooks)

    table = codebooks.reshape(M * K, DIM)
    ce_flat = _sc_gather(table, gidx.reshape(M * B))
    ce = ce_flat.reshape(M, B, DIM)

    x_hat = pl.pallas_call(
        _dec_body,
        grid=(NB,),
        in_specs=[
            pl.BlockSpec((M, BT, DIM), lambda i: (0, i, 0)),
            full((256, DIM)), full((256,)), full((256,)), full((256,)),
            full((128, 256)), full((128,)), full((128,)), full((128,)),
            full((IN_DIM, 128)), full((IN_DIM,)),
        ],
        out_specs=pl.BlockSpec((BT, IN_DIM), lambda i: (i, 0)),
        out_shape=jax.ShapeDtypeStruct((B, IN_DIM), jnp.float32),
    )(ce, dec_W1, dec_b1, dec_g1, dec_be1, dec_W2, dec_b2, dec_g2, dec_be2,
      dec_W3, dec_b3)
    return (x_hat, res, ce)

# --- scband reference (transcript-rebuilt; emitter-appended) ---
"""Pipeline reference for scband-vq-25443386262157 (READ-ONLY COPY).

The authoritative reference and input builder live on the scoring server;
editing this copy changes nothing except your own understanding.
"""

import jax, jax.numpy as jnp
import numpy as np

M = 4
IN_DIM = 512
DIM = 256
K = 1024
B = 4096
EPS = 1e-5


def _bn(h, g, b):
    # eval-mode BatchNorm1d with freshly-initialized running stats (mean=0, var=1)
    return (h / jnp.sqrt(1.0 + EPS)) * g + b


def setup_inputs(seed: int = 0):
    key = jax.random.key(seed)
    ks = jax.random.split(key, 16)
    x = jax.random.normal(ks[0], (B, IN_DIM), dtype=jnp.float32)
    enc_W1 = jax.random.normal(ks[1], (M, 128, IN_DIM), dtype=jnp.float32) * 0.04
    enc_b1 = jnp.zeros((M, 128), dtype=jnp.float32)
    enc_g1 = jnp.ones((M, 128), dtype=jnp.float32)
    enc_be1 = jnp.zeros((M, 128), dtype=jnp.float32)
    enc_W2 = jax.random.normal(ks[2], (M, 256, 128), dtype=jnp.float32) * 0.08
    enc_b2 = jnp.zeros((M, 256), dtype=jnp.float32)
    enc_g2 = jnp.ones((M, 256), dtype=jnp.float32)
    enc_be2 = jnp.zeros((M, 256), dtype=jnp.float32)
    enc_W3 = jax.random.normal(ks[3], (M, DIM, 256), dtype=jnp.float32) * 0.06
    enc_b3 = jnp.zeros((M, DIM), dtype=jnp.float32)
    codebooks = jax.random.uniform(ks[4], (M, K, DIM), dtype=jnp.float32, minval=-1.0 / K, maxval=1.0 / K)
    dec_W1 = jax.random.normal(ks[5], (256, DIM), dtype=jnp.float32) * 0.06
    dec_b1 = jnp.zeros((256,), dtype=jnp.float32)
    dec_g1 = jnp.ones((256,), dtype=jnp.float32)
    dec_be1 = jnp.zeros((256,), dtype=jnp.float32)
    dec_W2 = jax.random.normal(ks[6], (128, 256), dtype=jnp.float32) * 0.06
    dec_b2 = jnp.zeros((128,), dtype=jnp.float32)
    dec_g2 = jnp.ones((128,), dtype=jnp.float32)
    dec_be2 = jnp.zeros((128,), dtype=jnp.float32)
    dec_W3 = jax.random.normal(ks[7], (IN_DIM, 128), dtype=jnp.float32) * 0.08
    dec_b3 = jnp.zeros((IN_DIM,), dtype=jnp.float32)
    return {"x": x, "enc_W1": enc_W1, "enc_b1": enc_b1, "enc_g1": enc_g1, "enc_be1": enc_be1, "enc_W2": enc_W2, "enc_b2": enc_b2, "enc_g2": enc_g2, "enc_be2": enc_be2, "enc_W3": enc_W3, "enc_b3": enc_b3, "codebooks": codebooks, "dec_W1": dec_W1, "dec_b1": dec_b1, "dec_g1": dec_g1, "dec_be1": dec_be1, "dec_W2": dec_W2, "dec_b2": dec_b2, "dec_g2": dec_g2, "dec_be2": dec_be2, "dec_W3": dec_W3, "dec_b3": dec_b3}


def reference(x, enc_W1, enc_b1, enc_g1, enc_be1, enc_W2, enc_b2, enc_g2, enc_be2, enc_W3, enc_b3, codebooks, dec_W1, dec_b1, dec_g1, dec_be1, dec_W2, dec_b2, dec_g2, dec_be2, dec_W3, dec_b3):
    res_list = []
    ce_list = []
    for m in range(M):
        h = x @ enc_W1[m].T + enc_b1[m]
        h = jax.nn.relu(_bn(h, enc_g1[m], enc_be1[m]))
        h = h @ enc_W2[m].T + enc_b2[m]
        h = jax.nn.relu(_bn(h, enc_g2[m], enc_be2[m]))
        ze = h @ enc_W3[m].T + enc_b3[m]
        emb = codebooks[m]
        # ||ze - emb||^2 expanded (same math as broadcasted sum of squares)
        dist = jnp.sum(ze * ze, axis=1)[:, None] + jnp.sum(emb * emb, axis=1)[None, :] - 2.0 * (ze @ emb.T)
        nn_idx = jnp.argmin(dist, axis=1)
        ce = jnp.take(emb, nn_idx, axis=0)
        ce_list.append(ce)
        res_list.append(ze)
    zq = jnp.sum(jnp.stack(ce_list, axis=0), axis=0)
    d = zq @ dec_W1.T + dec_b1
    d = jax.nn.relu(_bn(d, dec_g1, dec_be1))
    d = d @ dec_W2.T + dec_b2
    d = jax.nn.relu(_bn(d, dec_g2, dec_be2))
    x_hat = d @ dec_W3.T + dec_b3
    return (x_hat, jnp.stack(res_list, axis=0), jnp.stack(ce_list, axis=0))

if __name__ == "__main__":
    import jax
    _d = setup_inputs()
    print(jax.jit(kernel)(*tuple(_d.values())))

</pallas_src>

<mosaic_0001>
#map = affine_map<(d0, d1) -> (0, 0)>
#map1 = affine_map<(d0, d1) -> (0)>
module attributes {stable_mosaic.version = 14 : i64} {
  func.func @_sc_gather(%arg0: i32, %arg1: i32, %arg2: memref<4096x256xf32, #tpu.memory_space<hbm>>, %arg3: memref<16384xi32, #tpu.memory_space<hbm>>, %arg4: memref<16384x256xf32, #tpu.memory_space<hbm>>, %arg5: memref<128xi32, #tpu.memory_space<vmem>>, %arg6: memref<128x256xf32, #tpu.memory_space<vmem>>, %arg7: memref<!tpu.dma_semaphore, #tpu.memory_space<semaphore_mem>>) attributes {dimension_semantics = [#tpu.dimension_semantics<core_parallel>, #tpu.dimension_semantics<subcore_parallel>], iteration_bounds = array<i64: 2, 16>, scalar_prefetch = 0 : i64, scratch_operands = 3 : i64, tpu.core_type = #tpu.core_type<sc_vector_subcore>, window_params = [{transform_indices = #map}, {transform_indices = #map1}, {transform_indices = #map}]} {
    %mul3A = arith.constant 2 : i32
    %mul3A_0 = arith.muli %arg1, %mul3A : i32
    %add3A = arith.addi %mul3A_0, %arg0 : i32
    %mul3A_1 = arith.constant 512 : i32
    %mul3A_2 = arith.muli %add3A, %mul3A_1 : i32
    %add3A_3 = arith.constant 0 : i32
    %add3A_4 = arith.addi %mul3A_2, %add3A_3 : i32
    "tpu.region"() ({
      %run_scoped3A = tpu.sem_alloc : memref<!tpu.dma_semaphore, #tpu.memory_space<semaphore_mem>>
      %dma_start3A_33 = tpu.memref_slice %arg3[%add3A_4] : memref<16384xi32, #tpu.memory_space<hbm>> -> memref<128xi32, #tpu.memory_space<hbm>>
      %dma_start3A_34 = tpu.memref_slice %arg3[%add3A_4] : memref<16384xi32, #tpu.memory_space<hbm>> -> memref<128xi32, #tpu.memory_space<hbm>>
      tpu.enqueue_dma source(%dma_start3A_34 : memref<128xi32, #tpu.memory_space<hbm>>) target(%arg5 : memref<128xi32, #tpu.memory_space<vmem>>) target_semaphore(%run_scoped3A : memref<!tpu.dma_semaphore, #tpu.memory_space<semaphore_mem>>)
      %dma_wait3A_35 = tpu.memref_slice %arg3[%add3A_4] : memref<16384xi32, #tpu.memory_space<hbm>> -> memref<128xi32, #tpu.memory_space<hbm>>
      %dma_wait3A_36 = tpu.memref_slice %arg3[%add3A_4] : memref<16384xi32, #tpu.memory_space<hbm>> -> memref<128xi32, #tpu.memory_space<hbm>>
      tpu.wait_dma2 semaphore(%run_scoped3A : memref<!tpu.dma_semaphore, #tpu.memory_space<semaphore_mem>>) src(%dma_wait3A_36 : memref<128xi32, #tpu.memory_space<hbm>>) dst(%arg5 : memref<128xi32, #tpu.memory_space<vmem>>)
      tpu.yield
    }) : () -> ()
    %dma_start3A = arith.constant 0 : i32
    %dma_start3A_5 = arith.constant 0 : i32
    %dma_start3A_6 = tpu.memref_slice %arg2[%dma_start3A, %dma_start3A_5] : memref<4096x256xf32, #tpu.memory_space<hbm>> -> memref<4096x256xf32, #tpu.memory_space<hbm>>
    tpu.enqueue_indirect_dma source(%dma_start3A_6 : memref<4096x256xf32, #tpu.memory_space<hbm>>) target(%arg6 : memref<128x256xf32, #tpu.memory_space<vmem>>) offsets(%arg5 : memref<128xi32, #tpu.memory_space<vmem>>) semaphore(%arg7 : memref<!tpu.dma_semaphore, #tpu.memory_space<semaphore_mem>>)
    %dma_wait3A = arith.constant 0 : i32
    %dma_wait3A_7 = arith.constant 0 : i32
    %dma_wait3A_8 = tpu.memref_slice %arg2[%dma_wait3A, %dma_wait3A_7] : memref<4096x256xf32, #tpu.memory_space<hbm>> -> memref<4096x256xf32, #tpu.memory_space<hbm>>
    tpu.wait_indirect_dma semaphore(%arg7 : memref<!tpu.dma_semaphore, #tpu.memory_space<semaphore_mem>>) src(%dma_wait3A_8 : memref<4096x256xf32, #tpu.memory_space<hbm>>) dst(%arg6 : memref<128x256xf32, #tpu.memory_space<vmem>>)
    "tpu.region"() ({
      %run_scoped3A = tpu.sem_alloc : memref<!tpu.dma_semaphore, #tpu.memory_space<semaphore_mem>>
      %dma_start3A_33 = arith.constant 0 : i32
      %dma_start3A_34 = tpu.memref_slice %arg4[%add3A_4, %dma_start3A_33] : memref<16384x256xf32, #tpu.memory_space<hbm>> -> memref<128x256xf32, #tpu.memory_space<hbm>>
      %dma_start3A_35 = arith.constant 0 : i32
      %dma_start3A_36 = tpu.memref_slice %arg4[%add3A_4, %dma_start3A_35] : memref<16384x256xf32, #tpu.memory_space<hbm>> -> memref<128x256xf32, #tpu.memory_space<hbm>>
      tpu.enqueue_dma source(%arg6 : memref<128x256xf32, #tpu.memory_space<vmem>>) target(%dma_start3A_36 : memref<128x256xf32, #tpu.memory_space<hbm>>) target_semaphore(%run_scoped3A : memref<!tpu.dma_semaphore, #tpu.memory_space<semaphore_mem>>)
      %dma_wait3A_37 = arith.constant 0 : i32
      %dma_wait3A_38 = tpu.memref_slice %arg4[%add3A_4, %dma_wait3A_37] : memref<16384x256xf32, #tpu.memory_space<hbm>> -> memref<128x256xf32, #tpu.memory_space<hbm>>
      %dma_wait3A_39 = arith.constant 0 : i32
      %dma_wait3A_40 = tpu.memref_slice %arg4[%add3A_4, %dma_wait3A_39] : memref<16384x256xf32, #tpu.memory_space<hbm>> -> memref<128x256xf32, #tpu.memory_space<hbm>>
      tpu.wait_dma2 semaphore(%run_scoped3A : memref<!tpu.dma_semaphore, #tpu.memory_space<semaphore_mem>>) src(%arg6 : memref<128x256xf32, #tpu.memory_space<vmem>>) dst(%dma_wait3A_40 : memref<128x256xf32, #tpu.memory_space<hbm>>)
      tpu.yield
    }) : () -> ()
    %add3A_9 = arith.constant 128 : i32
    %add3A_10 = arith.addi %mul3A_2, %add3A_9 : i32
    "tpu.region"() ({
      %run_scoped3A = tpu.sem_alloc : memref<!tpu.dma_semaphore, #tpu.memory_space<semaphore_mem>>
      %dma_start3A_33 = tpu.memref_slice %arg3[%add3A_10] : memref<16384xi32, #tpu.memory_space<hbm>> -> memref<128xi32, #tpu.memory_space<hbm>>
      %dma_start3A_34 = tpu.memref_slice %arg3[%add3A_10] : memref<16384xi32, #tpu.memory_space<hbm>> -> memref<128xi32, #tpu.memory_space<hbm>>
      tpu.enqueue_dma source(%dma_start3A_34 : memref<128xi32, #tpu.memory_space<hbm>>) target(%arg5 : memref<128xi32, #tpu.memory_space<vmem>>) target_semaphore(%run_scoped3A : memref<!tpu.dma_semaphore, #tpu.memory_space<semaphore_mem>>)
      %dma_wait3A_35 = tpu.memref_slice %arg3[%add3A_10] : memref<16384xi32, #tpu.memory_space<hbm>> -> memref<128xi32, #tpu.memory_space<hbm>>
      %dma_wait3A_36 = tpu.memref_slice %arg3[%add3A_10] : memref<16384xi32, #tpu.memory_space<hbm>> -> memref<128xi32, #tpu.memory_space<hbm>>
      tpu.wait_dma2 semaphore(%run_scoped3A : memref<!tpu.dma_semaphore, #tpu.memory_space<semaphore_mem>>) src(%dma_wait3A_36 : memref<128xi32, #tpu.memory_space<hbm>>) dst(%arg5 : memref<128xi32, #tpu.memory_space<vmem>>)
      tpu.yield
    }) : () -> ()
    %dma_start3A_11 = arith.constant 0 : i32
    %dma_start3A_12 = arith.constant 0 : i32
    %dma_start3A_13 = tpu.memref_slice %arg2[%dma_start3A_11, %dma_start3A_12] : memref<4096x256xf32, #tpu.memory_space<hbm>> -> memref<4096x256xf32, #tpu.memory_space<hbm>>
    tpu.enqueue_indirect_dma source(%dma_start3A_13 : memref<4096x256xf32, #tpu.memory_space<hbm>>) target(%arg6 : memref<128x256xf32, #tpu.memory_space<vmem>>) offsets(%arg5 : memref<128xi32, #tpu.memory_space<vmem>>) semaphore(%arg7 : memref<!tpu.dma_semaphore, #tpu.memory_space<semaphore_mem>>)
    %dma_wait3A_14 = arith.constant 0 : i32
    %dma_wait3A_15 = arith.constant 0 : i32
    %dma_wait3A_16 = tpu.memref_slice %arg2[%dma_wait3A_14, %dma_wait3A_15] : memref<4096x256xf32, #tpu.memory_space<hbm>> -> memref<4096x256xf32, #tpu.memory_space<hbm>>
    tpu.wait_indirect_dma semaphore(%arg7 : memref<!tpu.dma_semaphore, #tpu.memory_space<semaphore_mem>>) src(%dma_wait3A_16 : memref<4096x256xf32, #tpu.memory_space<hbm>>) dst(%arg6 : memref<128x256xf32, #tpu.memory_space<vmem>>)
    "tpu.region"() ({
      %run_scoped3A = tpu.sem_alloc : memref<!tpu.dma_semaphore, #tpu.memory_space<semaphore_mem>>
      %dma_start3A_33 = arith.constant 0 : i32
      %dma_start3A_34 = tpu.memref_slice %arg4[%add3A_10, %dma_start3A_33] : memref<16384x256xf32, #tpu.memory_space<hbm>> -> memref<128x256xf32, #tpu.memory_space<hbm>>
      %dma_start3A_35 = arith.constant 0 : i32
      %dma_start3A_36 = tpu.memref_slice %arg4[%add3A_10, %dma_start3A_35] : memref<16384x256xf32, #tpu.memory_space<hbm>> -> memref<128x256xf32, #tpu.memory_space<hbm>>
      tpu.enqueue_dma source(%arg6 : memref<128x256xf32, #tpu.memory_space<vmem>>) target(%dma_start3A_36 : memref<128x256xf32, #tpu.memory_space<hbm>>) target_semaphore(%run_scoped3A : memref<!tpu.dma_semaphore, #tpu.memory_space<semaphore_mem>>)
      %dma_wait3A_37 = arith.constant 0 : i32
      %dma_wait3A_38 = tpu.memref_slice %arg4[%add3A_10, %dma_wait3A_37] : memref<16384x256xf32, #tpu.memory_space<hbm>> -> memref<128x256xf32, #tpu.memory_space<hbm>>
      %dma_wait3A_39 = arith.constant 0 : i32
      %dma_wait3A_40 = tpu.memref_slice %arg4[%add3A_10, %dma_wait3A_39] : memref<16384x256xf32, #tpu.memory_space<hbm>> -> memref<128x256xf32, #tpu.memory_space<hbm>>
      tpu.wait_dma2 semaphore(%run_scoped3A : memref<!tpu.dma_semaphore, #tpu.memory_space<semaphore_mem>>) src(%arg6 : memref<128x256xf32, #tpu.memory_space<vmem>>) dst(%dma_wait3A_40 : memref<128x256xf32, #tpu.memory_space<hbm>>)
      tpu.yield
    }) : () -> ()
    %add3A_17 = arith.constant 256 : i32
    %add3A_18 = arith.addi %mul3A_2, %add3A_17 : i32
    "tpu.region"() ({
      %run_scoped3A = tpu.sem_alloc : memref<!tpu.dma_semaphore, #tpu.memory_space<semaphore_mem>>
      %dma_start3A_33 = tpu.memref_slice %arg3[%add3A_18] : memref<16384xi32, #tpu.memory_space<hbm>> -> memref<128xi32, #tpu.memory_space<hbm>>
      %dma_start3A_34 = tpu.memref_slice %arg3[%add3A_18] : memref<16384xi32, #tpu.memory_space<hbm>> -> memref<128xi32, #tpu.memory_space<hbm>>
      tpu.enqueue_dma source(%dma_start3A_34 : memref<128xi32, #tpu.memory_space<hbm>>) target(%arg5 : memref<128xi32, #tpu.memory_space<vmem>>) target_semaphore(%run_scoped3A : memref<!tpu.dma_semaphore, #tpu.memory_space<semaphore_mem>>)
      %dma_wait3A_35 = tpu.memref_slice %arg3[%add3A_18] : memref<16384xi32, #tpu.memory_space<hbm>> -> memref<128xi32, #tpu.memory_space<hbm>>
      %dma_wait3A_36 = tpu.memref_slice %arg3[%add3A_18] : memref<16384xi32, #tpu.memory_space<hbm>> -> memref<128xi32, #tpu.memory_space<hbm>>
      tpu.wait_dma2 semaphore(%run_scoped3A : memref<!tpu.dma_semaphore, #tpu.memory_space<semaphore_mem>>) src(%dma_wait3A_36 : memref<128xi32, #tpu.memory_space<hbm>>) dst(%arg5 : memref<128xi32, #tpu.memory_space<vmem>>)
      tpu.yield
    }) : () -> ()
    %dma_start3A_19 = arith.constant 0 : i32
    %dma_start3A_20 = arith.constant 0 : i32
    %dma_start3A_21 = tpu.memref_slice %arg2[%dma_start3A_19, %dma_start3A_20] : memref<4096x256xf32, #tpu.memory_space<hbm>> -> memref<4096x256xf32, #tpu.memory_space<hbm>>
    tpu.enqueue_indirect_dma source(%dma_start3A_21 : memref<4096x256xf32, #tpu.memory_space<hbm>>) target(%arg6 : memref<128x256xf32, #tpu.memory_space<vmem>>) offsets(%arg5 : memref<128xi32, #tpu.memory_space<vmem>>) semaphore(%arg7 : memref<!tpu.dma_semaphore, #tpu.memory_space<semaphore_mem>>)
    %dma_wait3A_22 = arith.constant 0 : i32
    %dma_wait3A_23 = arith.constant 0 : i32
    %dma_wait3A_24 = tpu.memref_slice %arg2[%dma_wait3A_22, %dma_wait3A_23] : memref<4096x256xf32, #tpu.memory_space<hbm>> -> memref<4096x256xf32, #tpu.memory_space<hbm>>
    tpu.wait_indirect_dma semaphore(%arg7 : memref<!tpu.dma_semaphore, #tpu.memory_space<semaphore_mem>>) src(%dma_wait3A_24 : memref<4096x256xf32, #tpu.memory_space<hbm>>) dst(%arg6 : memref<128x256xf32, #tpu.memory_space<vmem>>)
    "tpu.region"() ({
      %run_scoped3A = tpu.sem_alloc : memref<!tpu.dma_semaphore, #tpu.memory_space<semaphore_mem>>
      %dma_start3A_33 = arith.constant 0 : i32
      %dma_start3A_34 = tpu.memref_slice %arg4[%add3A_18, %dma_start3A_33] : memref<16384x256xf32, #tpu.memory_space<hbm>> -> memref<128x256xf32, #tpu.memory_space<hbm>>
      %dma_start3A_35 = arith.constant 0 : i32
      %dma_start3A_36 = tpu.memref_slice %arg4[%add3A_18, %dma_start3A_35] : memref<16384x256xf32, #tpu.memory_space<hbm>> -> memref<128x256xf32, #tpu.memory_space<hbm>>
      tpu.enqueue_dma source(%arg6 : memref<128x256xf32, #tpu.memory_space<vmem>>) target(%dma_start3A_36 : memref<128x256xf32, #tpu.memory_space<hbm>>) target_semaphore(%run_scoped3A : memref<!tpu.dma_semaphore, #tpu.memory_space<semaphore_mem>>)
      %dma_wait3A_37 = arith.constant 0 : i32
      %dma_wait3A_38 = tpu.memref_slice %arg4[%add3A_18, %dma_wait3A_37] : memref<16384x256xf32, #tpu.memory_space<hbm>> -> memref<128x256xf32, #tpu.memory_space<hbm>>
      %dma_wait3A_39 = arith.constant 0 : i32
      %dma_wait3A_40 = tpu.memref_slice %arg4[%add3A_18, %dma_wait3A_39] : memref<16384x256xf32, #tpu.memory_space<hbm>> -> memref<128x256xf32, #tpu.memory_space<hbm>>
      tpu.wait_dma2 semaphore(%run_scoped3A : memref<!tpu.dma_semaphore, #tpu.memory_space<semaphore_mem>>) src(%arg6 : memref<128x256xf32, #tpu.memory_space<vmem>>) dst(%dma_wait3A_40 : memref<128x256xf32, #tpu.memory_space<hbm>>)
      tpu.yield
    }) : () -> ()
    %add3A_25 = arith.constant 384 : i32
    %add3A_26 = arith.addi %mul3A_2, %add3A_25 : i32
    "tpu.region"() ({
      %run_scoped3A = tpu.sem_alloc : memref<!tpu.dma_semaphore, #tpu.memory_space<semaphore_mem>>
      %dma_start3A_33 = tpu.memref_slice %arg3[%add3A_26] : memref<16384xi32, #tpu.memory_space<hbm>> -> memref<128xi32, #tpu.memory_space<hbm>>
      %dma_start3A_34 = tpu.memref_slice %arg3[%add3A_26] : memref<16384xi32, #tpu.memory_space<hbm>> -> memref<128xi32, #tpu.memory_space<hbm>>
      tpu.enqueue_dma source(%dma_start3A_34 : memref<128xi32, #tpu.memory_space<hbm>>) target(%arg5 : memref<128xi32, #tpu.memory_space<vmem>>) target_semaphore(%run_scoped3A : memref<!tpu.dma_semaphore, #tpu.memory_space<semaphore_mem>>)
      %dma_wait3A_35 = tpu.memref_slice %arg3[%add3A_26] : memref<16384xi32, #tpu.memory_space<hbm>> -> memref<128xi32, #tpu.memory_space<hbm>>
      %dma_wait3A_36 = tpu.memref_slice %arg3[%add3A_26] : memref<16384xi32, #tpu.memory_space<hbm>> -> memref<128xi32, #tpu.memory_space<hbm>>
      tpu.wait_dma2 semaphore(%run_scoped3A : memref<!tpu.dma_semaphore, #tpu.memory_space<semaphore_mem>>) src(%dma_wait3A_36 : memref<128xi32, #tpu.memory_space<hbm>>) dst(%arg5 : memref<128xi32, #tpu.memory_space<vmem>>)
      tpu.yield
    }) : () -> ()
    %dma_start3A_27 = arith.constant 0 : i32
    %dma_start3A_28 = arith.constant 0 : i32
    %dma_start3A_29 = tpu.memref_slice %arg2[%dma_start3A_27, %dma_start3A_28] : memref<4096x256xf32, #tpu.memory_space<hbm>> -> memref<4096x256xf32, #tpu.memory_space<hbm>>
    tpu.enqueue_indirect_dma source(%dma_start3A_29 : memref<4096x256xf32, #tpu.memory_space<hbm>>) target(%arg6 : memref<128x256xf32, #tpu.memory_space<vmem>>) offsets(%arg5 : memref<128xi32, #tpu.memory_space<vmem>>) semaphore(%arg7 : memref<!tpu.dma_semaphore, #tpu.memory_space<semaphore_mem>>)
    %dma_wait3A_30 = arith.constant 0 : i32
    %dma_wait3A_31 = arith.constant 0 : i32
    %dma_wait3A_32 = tpu.memref_slice %arg2[%dma_wait3A_30, %dma_wait3A_31] : memref<4096x256xf32, #tpu.memory_space<hbm>> -> memref<4096x256xf32, #tpu.memory_space<hbm>>
    tpu.wait_indirect_dma semaphore(%arg7 : memref<!tpu.dma_semaphore, #tpu.memory_space<semaphore_mem>>) src(%dma_wait3A_32 : memref<4096x256xf32, #tpu.memory_space<hbm>>) dst(%arg6 : memref<128x256xf32, #tpu.memory_space<vmem>>)
    "tpu.region"() ({
      %run_scoped3A = tpu.sem_alloc : memref<!tpu.dma_semaphore, #tpu.memory_space<semaphore_mem>>
      %dma_start3A_33 = arith.constant 0 : i32
      %dma_start3A_34 = tpu.memref_slice %arg4[%add3A_26, %dma_start3A_33] : memref<16384x256xf32, #tpu.memory_space<hbm>> -> memref<128x256xf32, #tpu.memory_space<hbm>>
      %dma_start3A_35 = arith.constant 0 : i32
      %dma_start3A_36 = tpu.memref_slice %arg4[%add3A_26, %dma_start3A_35] : memref<16384x256xf32, #tpu.memory_space<hbm>> -> memref<128x256xf32, #tpu.memory_space<hbm>>
      tpu.enqueue_dma source(%arg6 : memref<128x256xf32, #tpu.memory_space<vmem>>) target(%dma_start3A_36 : memref<128x256xf32, #tpu.memory_space<hbm>>) target_semaphore(%run_scoped3A : memref<!tpu.dma_semaphore, #tpu.memory_space<semaphore_mem>>)
      %dma_wait3A_37 = arith.constant 0 : i32
      %dma_wait3A_38 = tpu.memref_slice %arg4[%add3A_26, %dma_wait3A_37] : memref<16384x256xf32, #tpu.memory_space<hbm>> -> memref<128x256xf32, #tpu.memory_space<hbm>>
      %dma_wait3A_39 = arith.constant 0 : i32
      %dma_wait3A_40 = tpu.memref_slice %arg4[%add3A_26, %dma_wait3A_39] : memref<16384x256xf32, #tpu.memory_space<hbm>> -> memref<128x256xf32, #tpu.memory_space<hbm>>
      tpu.wait_dma2 semaphore(%run_scoped3A : memref<!tpu.dma_semaphore, #tpu.memory_space<semaphore_mem>>) src(%arg6 : memref<128x256xf32, #tpu.memory_space<vmem>>) dst(%dma_wait3A_40 : memref<128x256xf32, #tpu.memory_space<hbm>>)
      tpu.yield
    }) : () -> ()
    return
  }
}

module attributes {stable_mosaic.version = 14 : i64} {
  func.func @_dec_body(%arg0: i32, %arg1: memref<4x512x256xf32, #tpu.memory_space<vmem>>, %arg2: memref<256x256xf32, #tpu.memory_space<vmem>>, %arg3: memref<256xf32, #tpu.memory_space<vmem>>, %arg4: memref<256xf32, #tpu.memory_space<vmem>>, %arg5: memref<256xf32, #tpu.memory_space<vmem>>, %arg6: memref<128x256xf32, #tpu.memory_space<vmem>>, %arg7: memref<128xf32, #tpu.memory_space<vmem>>, %arg8: memref<128xf32, #tpu.memory_space<vmem>>, %arg9: memref<128xf32, #tpu.memory_space<vmem>>, %arg10: memref<512x128xf32, #tpu.memory_space<vmem>>, %arg11: memref<512xf32, #tpu.memory_space<vmem>>, %arg12: memref<512x512xf32, #tpu.memory_space<vmem>>) attributes {dimension_semantics = [#tpu.dimension_semantics<arbitrary>], iteration_bounds = array<i64: 8>, scalar_prefetch = 0 : i64, scratch_operands = 0 : i64, tpu.core_type = #tpu.core_type<tc>, window_params = [{transform_indices = @transform_0, window_bounds = array<i64: 4, 512, 256>}, {pipeline_mode = #tpu.pipeline_mode<synchronous>, transform_indices = @transform_1, window_bounds = array<i64: 256, 256>}, {pipeline_mode = #tpu.pipeline_mode<synchronous>, transform_indices = @transform_2, window_bounds = array<i64: 256>}, {pipeline_mode = #tpu.pipeline_mode<synchronous>, transform_indices = @transform_3, window_bounds = array<i64: 256>}, {pipeline_mode = #tpu.pipeline_mode<synchronous>, transform_indices = @transform_4, window_bounds = array<i64: 256>}, {pipeline_mode = #tpu.pipeline_mode<synchronous>, transform_indices = @transform_5, window_bounds = array<i64: 128, 256>}, {pipeline_mode = #tpu.pipeline_mode<synchronous>, transform_indices = @transform_6, window_bounds = array<i64: 128>}, {pipeline_mode = #tpu.pipeline_mode<synchronous>, transform_indices = @transform_7, window_bounds = array<i64: 128>}, {pipeline_mode = #tpu.pipeline_mode<synchronous>, transform_indices = @transform_8, window_bounds = array<i64: 128>}, {pipeline_mode = #tpu.pipeline_mode<synchronous>, transform_indices = @transform_9, window_bounds = array<i64: 512, 128>}, {pipeline_mode = #tpu.pipeline_mode<synchronous>, transform_indices = @transform_10, window_bounds = array<i64: 512>}, {transform_indices = @transform_11, window_bounds = array<i64: 512, 512>}]} {
    %get3A = arith.constant 0 : index
    %get3A_0 = arith.constant 0 : index
    %get3A_1 = arith.constant 0 : index
    %get3A_2 = vector.load %arg1[%get3A, %get3A_0, %get3A_1] : memref<4x512x256xf32, #tpu.memory_space<vmem>>, vector<1x512x256xf32>
    %get3A_3 = vector.shape_cast %get3A_2 : vector<1x512x256xf32> to vector<512x256xf32>
    %get3A_4 = arith.constant 1 : index
    %get3A_5 = arith.constant 0 : index
    %get3A_6 = arith.constant 0 : index
    %get3A_7 = vector.load %arg1[%get3A_4, %get3A_5, %get3A_6] : memref<4x512x256xf32, #tpu.memory_space<vmem>>, vector<1x512x256xf32>
    %get3A_8 = vector.shape_cast %get3A_7 : vector<1x512x256xf32> to vector<512x256xf32>
    %add3A = arith.addf %get3A_3, %get3A_8 : vector<512x256xf32>
    %get3A_9 = arith.constant 2 : index
    %get3A_10 = arith.constant 0 : index
    %get3A_11 = arith.constant 0 : index
    %get3A_12 = vector.load %arg1[%get3A_9, %get3A_10, %get3A_11] : memref<4x512x256xf32, #tpu.memory_space<vmem>>, vector<1x512x256xf32>
    %get3A_13 = vector.shape_cast %get3A_12 : vector<1x512x256xf32> to vector<512x256xf32>
    %add3A_14 = arith.addf %add3A, %get3A_13 : vector<512x256xf32>
    %get3A_15 = arith.constant 3 : index
    %get3A_16 = arith.constant 0 : index
    %get3A_17 = arith.constant 0 : index
    %get3A_18 = vector.load %arg1[%get3A_15, %get3A_16, %get3A_17] : memref<4x512x256xf32, #tpu.memory_space<vmem>>, vector<1x512x256xf32>
    %get3A_19 = vector.shape_cast %get3A_18 : vector<1x512x256xf32> to vector<512x256xf32>
    %add3A_20 = arith.addf %add3A_14, %get3A_19 : vector<512x256xf32>
    %get3A_21 = arith.constant 0 : index
    %get3A_22 = arith.constant 0 : index
    %get3A_23 = vector.load %arg2[%get3A_21, %get3A_22] : memref<256x256xf32, #tpu.memory_space<vmem>>, vector<256x256xf32>
    %dot_general3A = arith.constant dense<0.000000e+00> : vector<512x256xf32>
    %dot_general3A_24 = tpu.matmul %add3A_20, %get3A_23, %dot_general3A {dimension_numbers = #tpu.dot_dimension_numbers<[1], [1], [0], [0], [0, 0, 1, 0], [], []>, transpose_lhs_hint = false} : vector<512x256xf32>, vector<256x256xf32>, vector<512x256xf32> -> vector<512x256xf32>
    %get3A_25 = arith.constant 0 : index
    %get3A_26 = vector.load %arg3[%get3A_25] : memref<256xf32, #tpu.memory_space<vmem>>, vector<256xf32>
    %broadcast_in_dim3A = vector.shape_cast %get3A_26 : vector<256xf32> to vector<1x256xf32>
    %add3A_27 = vector.broadcast %broadcast_in_dim3A : vector<1x256xf32> to vector<512x256xf32>
    %add3A_28 = arith.addf %dot_general3A_24, %add3A_27 : vector<512x256xf32>
    %get3A_29 = arith.constant 0 : index
    %get3A_30 = vector.load %arg4[%get3A_29] : memref<256xf32, #tpu.memory_space<vmem>>, vector<256xf32>
    %get3A_31 = arith.constant 0 : index
    %get3A_32 = vector.load %arg5[%get3A_31] : memref<256xf32, #tpu.memory_space<vmem>>, vector<256xf32>
    %sqrt3A = arith.constant 1.000010e+00 : f32
    %sqrt3A_33 = math.sqrt %sqrt3A : f32
    %div3A = vector.broadcast %sqrt3A_33 : f32 to vector<512x256xf32>
    %div3A_34 = arith.divf %add3A_28, %div3A : vector<512x256xf32>
    %broadcast_in_dim3A_35 = vector.shape_cast %get3A_30 : vector<256xf32> to vector<1x256xf32>
    %mul3A = vector.broadcast %broadcast_in_dim3A_35 : vector<1x256xf32> to vector<512x256xf32>
    %mul3A_36 = arith.mulf %div3A_34, %mul3A : vector<512x256xf32>
    %broadcast_in_dim3A_37 = vector.shape_cast %get3A_32 : vector<256xf32> to vector<1x256xf32>
    %add3A_38 = vector.broadcast %broadcast_in_dim3A_37 : vector<1x256xf32> to vector<512x256xf32>
    %add3A_39 = arith.addf %mul3A_36, %add3A_38 : vector<512x256xf32>
    %max3A = arith.constant 0.000000e+00 : f32
    %max3A_40 = vector.broadcast %max3A : f32 to vector<512x256xf32>
    %max3A_41 = arith.maximumf %add3A_39, %max3A_40 : vector<512x256xf32>
    %get3A_42 = arith.constant 0 : index
    %get3A_43 = arith.constant 0 : index
    %get3A_44 = vector.load %arg6[%get3A_42, %get3A_43] : memref<128x256xf32, #tpu.memory_space<vmem>>, vector<128x256xf32>
    %dot_general3A_45 = arith.constant dense<0.000000e+00> : vector<512x128xf32>
    %dot_general3A_46 = tpu.matmul %max3A_41, %get3A_44, %dot_general3A_45 {dimension_numbers = #tpu.dot_dimension_numbers<[1], [1], [0], [0], [0, 0, 1, 0], [], []>, transpose_lhs_hint = false} : vector<512x256xf32>, vector<128x256xf32>, vector<512x128xf32> -> vector<512x128xf32>
    %get3A_47 = arith.constant 0 : index
    %get3A_48 = vector.load %arg7[%get3A_47] : memref<128xf32, #tpu.memory_space<vmem>>, vector<128xf32>
    %broadcast_in_dim3A_49 = vector.shape_cast %get3A_48 : vector<128xf32> to vector<1x128xf32>
    %add3A_50 = vector.broadcast %broadcast_in_dim3A_49 : vector<1x128xf32> to vector<512x128xf32>
    %add3A_51 = arith.addf %dot_general3A_46, %add3A_50 : vector<512x128xf32>
    %get3A_52 = arith.constant 0 : index
    %get3A_53 = vector.load %arg8[%get3A_52] : memref<128xf32, #tpu.memory_space<vmem>>, vector<128xf32>
    %get3A_54 = arith.constant 0 : index
    %get3A_55 = vector.load %arg9[%get3A_54] : memref<128xf32, #tpu.memory_space<vmem>>, vector<128xf32>
    %sqrt3A_56 = arith.constant 1.000010e+00 : f32
    %sqrt3A_57 = math.sqrt %sqrt3A_56 : f32
    %div3A_58 = vector.broadcast %sqrt3A_57 : f32 to vector<512x128xf32>
    %div3A_59 = arith.divf %add3A_51, %div3A_58 : vector<512x128xf32>
    %broadcast_in_dim3A_60 = vector.shape_cast %get3A_53 : vector<128xf32> to vector<1x128xf32>
    %mul3A_61 = vector.broadcast %broadcast_in_dim3A_60 : vector<1x128xf32> to vector<512x128xf32>
    %mul3A_62 = arith.mulf %div3A_59, %mul3A_61 : vector<512x128xf32>
    %broadcast_in_dim3A_63 = vector.shape_cast %get3A_55 : vector<128xf32> to vector<1x128xf32>
    %add3A_64 = vector.broadcast %broadcast_in_dim3A_63 : vector<1x128xf32> to vector<512x128xf32>
    %add3A_65 = arith.addf %mul3A_62, %add3A_64 : vector<512x128xf32>
    %max3A_66 = arith.constant 0.000000e+00 : f32
    %max3A_67 = vector.broadcast %max3A_66 : f32 to vector<512x128xf32>
    %max3A_68 = arith.maximumf %add3A_65, %max3A_67 : vector<512x128xf32>
    %get3A_69 = arith.constant 0 : index
    %get3A_70 = arith.constant 0 : index
    %get3A_71 = vector.load %arg10[%get3A_69, %get3A_70] : memref<512x128xf32, #tpu.memory_space<vmem>>, vector<512x128xf32>
    %dot_general3A_72 = arith.constant dense<0.000000e+00> : vector<512x512xf32>
    %dot_general3A_73 = tpu.matmul %max3A_68, %get3A_71, %dot_general3A_72 {dimension_numbers = #tpu.dot_dimension_numbers<[1], [1], [0], [0], [0, 0, 1, 0], [], []>, transpose_lhs_hint = false} : vector<512x128xf32>, vector<512x128xf32>, vector<512x512xf32> -> vector<512x512xf32>
    %get3A_74 = arith.constant 0 : index
    %get3A_75 = vector.load %arg11[%get3A_74] : memref<512xf32, #tpu.memory_space<vmem>>, vector<512xf32>
    %broadcast_in_dim3A_76 = vector.shape_cast %get3A_75 : vector<512xf32> to vector<1x512xf32>
    %add3A_77 = vector.broadcast %broadcast_in_dim3A_76 : vector<1x512xf32> to vector<512x512xf32>
    %add3A_78 = arith.addf %dot_general3A_73, %add3A_77 : vector<512x512xf32>
    %swap3A = arith.constant 0 : index
    %swap3A_79 = arith.constant 0 : index
    %swap3A_80 = vector.load %arg12[%swap3A, %swap3A_79] : memref<512x512xf32, #tpu.memory_space<vmem>>, vector<512x512xf32>
    tpu.vector_store %arg12[%swap3A, %swap3A_79], %add3A_78 {strides = array<i32>} : memref<512x512xf32, #tpu.memory_space<vmem>>, vector<512x512xf32>,
    return
  }
  func.func @transform_0(%arg0: i32) -> (i32, i32, i32) {
    %c0_i32 = arith.constant 0 : i32
    %c0_i32_0 = arith.constant 0 : i32
    %c0_i32_1 = arith.constant 0 : i32
    return %c0_i32, %arg0, %c0_i32_0 : i32, i32, i32
  }
  func.func @transform_1(%arg0: i32) -> (i32, i32) {
    %c0_i32 = arith.constant 0 : i32
    %c0_i32_0 = arith.constant 0 : i32
    %c0_i32_1 = arith.constant 0 : i32
    return %c0_i32, %c0_i32_0 : i32, i32
  }
  func.func @transform_2(%arg0: i32) -> i32 {
    %c0_i32 = arith.constant 0 : i32
    %c0_i32_0 = arith.constant 0 : i32
    return %c0_i32 : i32
  }
  func.func @transform_3(%arg0: i32) -> i32 {
    %c0_i32 = arith.constant 0 : i32
    %c0_i32_0 = arith.constant 0 : i32
    return %c0_i32 : i32
  }
  func.func @transform_4(%arg0: i32) -> i32 {
    %c0_i32 = arith.constant 0 : i32
    %c0_i32_0 = arith.constant 0 : i32
    return %c0_i32 : i32
  }
  func.func @transform_5(%arg0: i32) -> (i32, i32) {
    %c0_i32 = arith.constant 0 : i32
    %c0_i32_0 = arith.constant 0 : i32
    %c0_i32_1 = arith.constant 0 : i32
    return %c0_i32, %c0_i32_0 : i32, i32
  }
  func.func @transform_6(%arg0: i32) -> i32 {
    %c0_i32 = arith.constant 0 : i32
    %c0_i32_0 = arith.constant 0 : i32
    return %c0_i32 : i32
  }
  func.func @transform_7(%arg0: i32) -> i32 {
    %c0_i32 = arith.constant 0 : i32
    %c0_i32_0 = arith.constant 0 : i32
    return %c0_i32 : i32
  }
  func.func @transform_8(%arg0: i32) -> i32 {
    %c0_i32 = arith.constant 0 : i32
    %c0_i32_0 = arith.constant 0 : i32
    return %c0_i32 : i32
  }
  func.func @transform_9(%arg0: i32) -> (i32, i32) {
    %c0_i32 = arith.constant 0 : i32
    %c0_i32_0 = arith.constant 0 : i32
    %c0_i32_1 = arith.constant 0 : i32
    return %c0_i32, %c0_i32_0 : i32, i32
  }
  func.func @transform_10(%arg0: i32) -> i32 {
    %c0_i32 = arith.constant 0 : i32
    %c0_i32_0 = arith.constant 0 : i32
    return %c0_i32 : i32
  }
  func.func @transform_11(%arg0: i32) -> (i32, i32) {
    %c0_i32 = arith.constant 0 : i32
    %c0_i32_0 = arith.constant 0 : i32
    return %arg0, %c0_i32 : i32, i32
  }
}

module attributes {stable_mosaic.version = 14 : i64} {
  func.func @_enc_body(%arg0: i32, %arg1: memref<512x512xf32, #tpu.memory_space<vmem>>, %arg2: memref<4x128x512xf32, #tpu.memory_space<vmem>>, %arg3: memref<4x128xf32, #tpu.memory_space<vmem>>, %arg4: memref<4x128xf32, #tpu.memory_space<vmem>>, %arg5: memref<4x128xf32, #tpu.memory_space<vmem>>, %arg6: memref<4x256x128xf32, #tpu.memory_space<vmem>>, %arg7: memref<4x256xf32, #tpu.memory_space<vmem>>, %arg8: memref<4x256xf32, #tpu.memory_space<vmem>>, %arg9: memref<4x256xf32, #tpu.memory_space<vmem>>, %arg10: memref<4x256x256xf32, #tpu.memory_space<vmem>>, %arg11: memref<4x256xf32, #tpu.memory_space<vmem>>, %arg12: memref<4x1024x256xf32, #tpu.memory_space<vmem>>, %arg13: memref<4x512x256xf32, #tpu.memory_space<vmem>>, %arg14: memref<4x512xi32, #tpu.memory_space<vmem>>) attributes {dimension_semantics = [#tpu.dimension_semantics<arbitrary>], iteration_bounds = array<i64: 8>, scalar_prefetch = 0 : i64, scratch_operands = 0 : i64, tpu.core_type = #tpu.core_type<tc>, window_params = [{transform_indices = @transform_0, window_bounds = array<i64: 512, 512>}, {pipeline_mode = #tpu.pipeline_mode<synchronous>, transform_indices = @transform_1, window_bounds = array<i64: 4, 128, 512>}, {pipeline_mode = #tpu.pipeline_mode<synchronous>, transform_indices = @transform_2, window_bounds = array<i64: 4, 128>}, {pipeline_mode = #tpu.pipeline_mode<synchronous>, transform_indices = @transform_3, window_bounds = array<i64: 4, 128>}, {pipeline_mode = #tpu.pipeline_mode<synchronous>, transform_indices = @transform_4, window_bounds = array<i64: 4, 128>}, {pipeline_mode = #tpu.pipeline_mode<synchronous>, transform_indices = @transform_5, window_bounds = array<i64: 4, 256, 128>}, {pipeline_mode = #tpu.pipeline_mode<synchronous>, transform_indices = @transform_6, window_bounds = array<i64: 4, 256>}, {pipeline_mode = #tpu.pipeline_mode<synchronous>, transform_indices = @transform_7, window_bounds = array<i64: 4, 256>}, {pipeline_mode = #tpu.pipeline_mode<synchronous>, transform_indices = @transform_8, window_bounds = array<i64: 4, 256>}, {pipeline_mode = #tpu.pipeline_mode<synchronous>, transform_indices = @transform_9, window_bounds = array<i64: 4, 256, 256>}, {pipeline_mode = #tpu.pipeline_mode<synchronous>, transform_indices = @transform_10, window_bounds = array<i64: 4, 256>}, {pipeline_mode = #tpu.pipeline_mode<synchronous>, transform_indices = @transform_11, window_bounds = array<i64: 4, 1024, 256>}, {transform_indices = @transform_12, window_bounds = array<i64: 4, 512, 256>}, {transform_indices = @transform_13, window_bounds = array<i64: 4, 512>}]} {
    %get3A = arith.constant 0 : index
    %get3A_0 = arith.constant 0 : index
    %get3A_1 = vector.load %arg1[%get3A, %get3A_0] : memref<512x512xf32, #tpu.memory_space<vmem>>, vector<512x512xf32>
    %get3A_2 = arith.constant 0 : index
    %get3A_3 = arith.constant 0 : index
    %get3A_4 = arith.constant 0 : index
    %get3A_5 = vector.load %arg2[%get3A_2, %get3A_3, %get3A_4] : memref<4x128x512xf32, #tpu.memory_space<vmem>>, vector<1x128x512xf32>
    %get3A_6 = vector.shape_cast %get3A_5 : vector<1x128x512xf32> to vector<128x512xf32>
    %dot_general3A = arith.constant dense<0.000000e+00> : vector<512x128xf32>
    %dot_general3A_7 = tpu.matmul %get3A_1, %get3A_6, %dot_general3A {dimension_numbers = #tpu.dot_dimension_numbers<[1], [1], [0], [0], [0, 0, 1, 0], [], []>, transpose_lhs_hint = false} : vector<512x512xf32>, vector<128x512xf32>, vector<512x128xf32> -> vector<512x128xf32>
    %get3A_8 = arith.constant 0 : index
    %get3A_9 = arith.constant 0 : index
    %get3A_10 = vector.load %arg3[%get3A_8, %get3A_9] : memref<4x128xf32, #tpu.memory_space<vmem>>, vector<1x128xf32>
    %add3A = vector.broadcast %get3A_10 : vector<1x128xf32> to vector<512x128xf32>
    %add3A_11 = arith.addf %dot_general3A_7, %add3A : vector<512x128xf32>
    %get3A_12 = arith.constant 0 : index
    %get3A_13 = arith.constant 0 : index
    %get3A_14 = vector.load %arg4[%get3A_12, %get3A_13] : memref<4x128xf32, #tpu.memory_space<vmem>>, vector<1x128xf32>
    %get3A_15 = arith.constant 0 : index
    %get3A_16 = arith.constant 0 : index
    %get3A_17 = vector.load %arg5[%get3A_15, %get3A_16] : memref<4x128xf32, #tpu.memory_space<vmem>>, vector<1x128xf32>
    %sqrt3A = arith.constant 1.000010e+00 : f32
    %sqrt3A_18 = math.sqrt %sqrt3A : f32
    %div3A = vector.broadcast %sqrt3A_18 : f32 to vector<512x128xf32>
    %div3A_19 = arith.divf %add3A_11, %div3A : vector<512x128xf32>
    %mul3A = vector.broadcast %get3A_14 : vector<1x128xf32> to vector<512x128xf32>
    %mul3A_20 = arith.mulf %div3A_19, %mul3A : vector<512x128xf32>
    %add3A_21 = vector.broadcast %get3A_17 : vector<1x128xf32> to vector<512x128xf32>
    %add3A_22 = arith.addf %mul3A_20, %add3A_21 : vector<512x128xf32>
    %max3A = arith.constant 0.000000e+00 : f32
    %max3A_23 = vector.broadcast %max3A : f32 to vector<512x128xf32>
    %max3A_24 = arith.maximumf %add3A_22, %max3A_23 : vector<512x128xf32>
    %get3A_25 = arith.constant 0 : index
    %get3A_26 = arith.constant 0 : index
    %get3A_27 = arith.constant 0 : index
    %get3A_28 = vector.load %arg6[%get3A_25, %get3A_26, %get3A_27] : memref<4x256x128xf32, #tpu.memory_space<vmem>>, vector<1x256x128xf32>
    %get3A_29 = vector.shape_cast %get3A_28 : vector<1x256x128xf32> to vector<256x128xf32>
    %dot_general3A_30 = arith.constant dense<0.000000e+00> : vector<512x256xf32>
    %dot_general3A_31 = tpu.matmul %max3A_24, %get3A_29, %dot_general3A_30 {dimension_numbers = #tpu.dot_dimension_numbers<[1], [1], [0], [0], [0, 0, 1, 0], [], []>, transpose_lhs_hint = false} : vector<512x128xf32>, vector<256x128xf32>, vector<512x256xf32> -> vector<512x256xf32>
    %get3A_32 = arith.constant 0 : index
    %get3A_33 = arith.constant 0 : index
    %get3A_34 = vector.load %arg7[%get3A_32, %get3A_33] : memref<4x256xf32, #tpu.memory_space<vmem>>, vector<1x256xf32>
    %add3A_35 = vector.broadcast %get3A_34 : vector<1x256xf32> to vector<512x256xf32>
    %add3A_36 = arith.addf %dot_general3A_31, %add3A_35 : vector<512x256xf32>
    %get3A_37 = arith.constant 0 : index
    %get3A_38 = arith.constant 0 : index
    %get3A_39 = vector.load %arg8[%get3A_37, %get3A_38] : memref<4x256xf32, #tpu.memory_space<vmem>>, vector<1x256xf32>
    %get3A_40 = arith.constant 0 : index
    %get3A_41 = arith.constant 0 : index
    %get3A_42 = vector.load %arg9[%get3A_40, %get3A_41] : memref<4x256xf32, #tpu.memory_space<vmem>>, vector<1x256xf32>
    %sqrt3A_43 = arith.constant 1.000010e+00 : f32
    %sqrt3A_44 = math.sqrt %sqrt3A_43 : f32
    %div3A_45 = vector.broadcast %sqrt3A_44 : f32 to vector<512x256xf32>
    %div3A_46 = arith.divf %add3A_36, %div3A_45 : vector<512x256xf32>
    %mul3A_47 = vector.broadcast %get3A_39 : vector<1x256xf32> to vector<512x256xf32>
    %mul3A_48 = arith.mulf %div3A_46, %mul3A_47 : vector<512x256xf32>
    %add3A_49 = vector.broadcast %get3A_42 : vector<1x256xf32> to vector<512x256xf32>
    %add3A_50 = arith.addf %mul3A_48, %add3A_49 : vector<512x256xf32>
    %max3A_51 = arith.constant 0.000000e+00 : f32
    %max3A_52 = vector.broadcast %max3A_51 : f32 to vector<512x256xf32>
    %max3A_53 = arith.maximumf %add3A_50, %max3A_52 : vector<512x256xf32>
    %get3A_54 = arith.constant 0 : index
    %get3A_55 = arith.constant 0 : index
    %get3A_56 = arith.constant 0 : index
    %get3A_57 = vector.load %arg10[%get3A_54, %get3A_55, %get3A_56] : memref<4x256x256xf32, #tpu.memory_space<vmem>>, vector<1x256x256xf32>
    %get3A_58 = vector.shape_cast %get3A_57 : vector<1x256x256xf32> to vector<256x256xf32>
    %dot_general3A_59 = arith.constant dense<0.000000e+00> : vector<512x256xf32>
    %dot_general3A_60 = tpu.matmul %max3A_53, %get3A_58, %dot_general3A_59 {dimension_numbers = #tpu.dot_dimension_numbers<[1], [1], [0], [0], [0, 0, 1, 0], [], []>, transpose_lhs_hint = false} : vector<512x256xf32>, vector<256x256xf32>, vector<512x256xf32> -> vector<512x256xf32>
    %get3A_61 = arith.constant 0 : index
    %get3A_62 = arith.constant 0 : index
    %get3A_63 = vector.load %arg11[%get3A_61, %get3A_62] : memref<4x256xf32, #tpu.memory_space<vmem>>, vector<1x256xf32>
    %add3A_64 = vector.broadcast %get3A_63 : vector<1x256xf32> to vector<512x256xf32>
    %add3A_65 = arith.addf %dot_general3A_60, %add3A_64 : vector<512x256xf32>
    %swap3A = arith.constant 0 : index
    %swap3A_66 = arith.constant 0 : index
    %swap3A_67 = arith.constant 0 : index
    %swap3A_68 = vector.load %arg13[%swap3A, %swap3A_66, %swap3A_67] : memref<4x512x256xf32, #tpu.memory_space<vmem>>, vector<1x512x256xf32>
    %swap3A_69 = vector.shape_cast %swap3A_68 : vector<1x512x256xf32> to vector<512x256xf32>
    %swap3A_70 = vector.shape_cast %add3A_65 : vector<512x256xf32> to vector<1x512x256xf32>
    tpu.vector_store %arg13[%swap3A, %swap3A_66, %swap3A_67], %swap3A_70 {strides = array<i32>} : memref<4x512x256xf32, #tpu.memory_space<vmem>>, vector<1x512x256xf32>,
    %get3A_71 = arith.constant 0 : index
    %get3A_72 = arith.constant 0 : index
    %get3A_73 = arith.constant 0 : index
    %get3A_74 = vector.load %arg12[%get3A_71, %get3A_72, %get3A_73] : memref<4x1024x256xf32, #tpu.memory_space<vmem>>, vector<1x1024x256xf32>
    %get3A_75 = vector.shape_cast %get3A_74 : vector<1x1024x256xf32> to vector<1024x256xf32>
    %mul3A_76 = arith.mulf %add3A_65, %add3A_65 : vector<512x256xf32>
    %reduce_sum3A = arith.constant dense<0.000000e+00> : vector<512xf32>
    %reduce_sum3A_77 = vector.multi_reduction <add>, %mul3A_76, %reduce_sum3A [1] : vector<512x256xf32> to vector<512xf32>
    %broadcast_in_dim3A = vector.shape_cast %reduce_sum3A_77 : vector<512xf32> to vector<512x1xf32>
    %mul3A_78 = arith.mulf %get3A_75, %get3A_75 : vector<1024x256xf32>
    %reduce_sum3A_79 = arith.constant dense<0.000000e+00> : vector<1024xf32>
    %reduce_sum3A_80 = vector.multi_reduction <add>, %mul3A_78, %reduce_sum3A_79 [1] : vector<1024x256xf32> to vector<1024xf32>
    %broadcast_in_dim3A_81 = vector.shape_cast %reduce_sum3A_80 : vector<1024xf32> to vector<1x1024xf32>
    %dot_general3A_82 = arith.constant dense<0.000000e+00> : vector<512x1024xf32>
    %dot_general3A_83 = tpu.matmul %add3A_65, %get3A_75, %dot_general3A_82 {dimension_numbers = #tpu.dot_dimension_numbers<[1], [1], [0], [0], [0, 0, 1, 0], [], []>, transpose_lhs_hint = false} : vector<512x256xf32>, vector<1024x256xf32>, vector<512x1024xf32> -> vector<512x1024xf32>
    %add3A_84 = vector.broadcast %broadcast_in_dim3A : vector<512x1xf32> to vector<512x1024xf32>
    %add3A_85 = vector.broadcast %broadcast_in_dim3A_81 : vector<1x1024xf32> to vector<512x1024xf32>
    %add3A_86 = arith.addf %add3A_84, %add3A_85 : vector<512x1024xf32>
    %mul3A_87 = arith.constant 2.000000e+00 : f32
    %mul3A_88 = vector.broadcast %mul3A_87 : f32 to vector<512x1024xf32>
    %mul3A_89 = arith.mulf %mul3A_88, %dot_general3A_83 : vector<512x1024xf32>
    %sub3A = arith.subf %add3A_86, %mul3A_89 : vector<512x1024xf32>
    %reduce_min3A = arith.constant dense<0x7F800000> : vector<512xf32>
    %reduce_min3A_90 = vector.multi_reduction <minimumf>, %sub3A, %reduce_min3A [1] : vector<512x1024xf32> to vector<512xf32>
    %broadcast_in_dim3A_91 = vector.shape_cast %reduce_min3A_90 : vector<512xf32> to vector<512x1xf32>
    %iota3A = tpu.iota {dimensions = array<i32: 1>} : vector<512x1024xi32>
    %eq3A = vector.broadcast %broadcast_in_dim3A_91 : vector<512x1xf32> to vector<512x1024xf32>
    %eq3A_92 = arith.cmpf oeq, %sub3A, %eq3A : vector<512x1024xf32>
    %jit3A = arith.constant 1024 : i32
    %broadcast_in_dim3A_93 = vector.broadcast %jit3A : i32 to vector<512x1024xi32>
    %select_n3A = arith.select %eq3A_92, %iota3A, %broadcast_in_dim3A_93 : vector<512x1024xi1>, vector<512x1024xi32>
    %reduce_min3A_94 = arith.constant dense<2147483647> : vector<512xi32>
    %reduce_min3A_95 = vector.multi_reduction <minsi>, %select_n3A, %reduce_min3A_94 [1] : vector<512x1024xi32> to vector<512xi32>
    %add3A_96 = arith.constant 0 : i32
    %add3A_97 = vector.broadcast %add3A_96 : i32 to vector<512xi32>
    %add3A_98 = arith.addi %reduce_min3A_95, %add3A_97 : vector<512xi32>
    %swap3A_99 = arith.constant 0 : index
    %swap3A_100 = arith.constant 0 : index
    %swap3A_101 = vector.load %arg14[%swap3A_99, %swap3A_100] : memref<4x512xi32, #tpu.memory_space<vmem>>, vector<1x512xi32>
    %swap3A_102 = vector.shape_cast %swap3A_101 : vector<1x512xi32> to vector<512xi32>
    %swap3A_103 = vector.shape_cast %add3A_98 : vector<512xi32> to vector<1x512xi32>
    tpu.vector_store %arg14[%swap3A_99, %swap3A_100], %swap3A_103 {strides = array<i32>} : memref<4x512xi32, #tpu.memory_space<vmem>>, vector<1x512xi32>,
    %get3A_104 = arith.constant 1 : index
    %get3A_105 = arith.constant 0 : index
    %get3A_106 = arith.constant 0 : index
    %get3A_107 = vector.load %arg2[%get3A_104, %get3A_105, %get3A_106] : memref<4x128x512xf32, #tpu.memory_space<vmem>>, vector<1x128x512xf32>
    %get3A_108 = vector.shape_cast %get3A_107 : vector<1x128x512xf32> to vector<128x512xf32>
    %dot_general3A_109 = arith.constant dense<0.000000e+00> : vector<512x128xf32>
    %dot_general3A_110 = tpu.matmul %get3A_1, %get3A_108, %dot_general3A_109 {dimension_numbers = #tpu.dot_dimension_numbers<[1], [1], [0], [0], [0, 0, 1, 0], [], []>, transpose_lhs_hint = false} : vector<512x512xf32>, vector<128x512xf32>, vector<512x128xf32> -> vector<512x128xf32>
    %get3A_111 = arith.constant 1 : index
    %get3A_112 = arith.constant 0 : index
    %get3A_113 = vector.load %arg3[%get3A_111, %get3A_112] : memref<4x128xf32, #tpu.memory_space<vmem>>, vector<1x128xf32>
    %add3A_114 = vector.broadcast %get3A_113 : vector<1x128xf32> to vector<512x128xf32>
    %add3A_115 = arith.addf %dot_general3A_110, %add3A_114 : vector<512x128xf32>
    %get3A_116 = arith.constant 1 : index
    %get3A_117 = arith.constant 0 : index
    %get3A_118 = vector.load %arg4[%get3A_116, %get3A_117] : memref<4x128xf32, #tpu.memory_space<vmem>>, vector<1x128xf32>
    %get3A_119 = arith.constant 1 : index
    %get3A_120 = arith.constant 0 : index
    %get3A_121 = vector.load %arg5[%get3A_119, %get3A_120] : memref<4x128xf32, #tpu.memory_space<vmem>>, vector<1x128xf32>
    %sqrt3A_122 = arith.constant 1.000010e+00 : f32
    %sqrt3A_123 = math.sqrt %sqrt3A_122 : f32
    %div3A_124 = vector.broadcast %sqrt3A_123 : f32 to vector<512x128xf32>
    %div3A_125 = arith.divf %add3A_115, %div3A_124 : vector<512x128xf32>
    %mul3A_126 = vector.broadcast %get3A_118 : vector<1x128xf32> to vector<512x128xf32>
    %mul3A_127 = arith.mulf %div3A_125, %mul3A_126 : vector<512x128xf32>
    %add3A_128 = vector.broadcast %get3A_121 : vector<1x128xf32> to vector<512x128xf32>
    %add3A_129 = arith.addf %mul3A_127, %add3A_128 : vector<512x128xf32>
    %max3A_130 = arith.constant 0.000000e+00 : f32
    %max3A_131 = vector.broadcast %max3A_130 : f32 to vector<512x128xf32>
    %max3A_132 = arith.maximumf %add3A_129, %max3A_131 : vector<512x128xf32>
    %get3A_133 = arith.constant 1 : index
    %get3A_134 = arith.constant 0 : index
    %get3A_135 = arith.constant 0 : index
    %get3A_136 = vector.load %arg6[%get3A_133, %get3A_134, %get3A_135] : memref<4x256x128xf32, #tpu.memory_space<vmem>>, vector<1x256x128xf32>
    %get3A_137 = vector.shape_cast %get3A_136 : vector<1x256x128xf32> to vector<256x128xf32>
    %dot_general3A_138 = arith.constant dense<0.000000e+00> : vector<512x256xf32>
    %dot_general3A_139 = tpu.matmul %max3A_132, %get3A_137, %dot_general3A_138 {dimension_numbers = #tpu.dot_dimension_numbers<[1], [1], [0], [0], [0, 0, 1, 0], [], []>, transpose_lhs_hint = false} : vector<512x128xf32>, vector<256x128xf32>, vector<512x256xf32> -> vector<512x256xf32>
    %get3A_140 = arith.constant 1 : index
    %get3A_141 = arith.constant 0 : index
    %get3A_142 = vector.load %arg7[%get3A_140, %get3A_141] : memref<4x256xf32, #tpu.memory_space<vmem>>, vector<1x256xf32>
    %add3A_143 = vector.broadcast %get3A_142 : vector<1x256xf32> to vector<512x256xf32>
    %add3A_144 = arith.addf %dot_general3A_139, %add3A_143 : vector<512x256xf32>
    %get3A_145 = arith.constant 1 : index
    %get3A_146 = arith.constant 0 : index
    %get3A_147 = vector.load %arg8[%get3A_145, %get3A_146] : memref<4x256xf32, #tpu.memory_space<vmem>>, vector<1x256xf32>
    %get3A_148 = arith.constant 1 : index
    %get3A_149 = arith.constant 0 : index
    %get3A_150 = vector.load %arg9[%get3A_148, %get3A_149] : memref<4x256xf32, #tpu.memory_space<vmem>>, vector<1x256xf32>
    %sqrt3A_151 = arith.constant 1.000010e+00 : f32
    %sqrt3A_152 = math.sqrt %sqrt3A_151 : f32
    %div3A_153 = vector.broadcast %sqrt3A_152 : f32 to vector<512x256xf32>
    %div3A_154 = arith.divf %add3A_144, %div3A_153 : vector<512x256xf32>
    %mul3A_155 = vector.broadcast %get3A_147 : vector<1x256xf32> to vector<512x256xf32>
    %mul3A_156 = arith.mulf %div3A_154, %mul3A_155 : vector<512x256xf32>
    %add3A_157 = vector.broadcast %get3A_150 : vector<1x256xf32> to vector<512x256xf32>
    %add3A_158 = arith.addf %mul3A_156, %add3A_157 : vector<512x256xf32>
    %max3A_159 = arith.constant 0.000000e+00 : f32
    %max3A_160 = vector.broadcast %max3A_159 : f32 to vector<512x256xf32>
    %max3A_161 = arith.maximumf %add3A_158, %max3A_160 : vector<512x256xf32>
    %get3A_162 = arith.constant 1 : index
    %get3A_163 = arith.constant 0 : index
    %get3A_164 = arith.constant 0 : index
    %get3A_165 = vector.load %arg10[%get3A_162, %get3A_163, %get3A_164] : memref<4x256x256xf32, #tpu.memory_space<vmem>>, vector<1x256x256xf32>
    %get3A_166 = vector.shape_cast %get3A_165 : vector<1x256x256xf32> to vector<256x256xf32>
    %dot_general3A_167 = arith.constant dense<0.000000e+00> : vector<512x256xf32>
    %dot_general3A_168 = tpu.matmul %max3A_161, %get3A_166, %dot_general3A_167 {dimension_numbers = #tpu.dot_dimension_numbers<[1], [1], [0], [0], [0, 0, 1, 0], [], []>, transpose_lhs_hint = false} : vector<512x256xf32>, vector<256x256xf32>, vector<512x256xf32> -> vector<512x256xf32>
    %get3A_169 = arith.constant 1 : index
    %get3A_170 = arith.constant 0 : index
    %get3A_171 = vector.load %arg11[%get3A_169, %get3A_170] : memref<4x256xf32, #tpu.memory_space<vmem>>, vector<1x256xf32>
    %add3A_172 = vector.broadcast %get3A_171 : vector<1x256xf32> to vector<512x256xf32>
    %add3A_173 = arith.addf %dot_general3A_168, %add3A_172 : vector<512x256xf32>
    %swap3A_174 = arith.constant 1 : index
    %swap3A_175 = arith.constant 0 : index
    %swap3A_176 = arith.constant 0 : index
    %swap3A_177 = vector.load %arg13[%swap3A_174, %swap3A_175, %swap3A_176] : memref<4x512x256xf32, #tpu.memory_space<vmem>>, vector<1x512x256xf32>
    %swap3A_178 = vector.shape_cast %swap3A_177 : vector<1x512x256xf32> to vector<512x256xf32>
    %swap3A_179 = vector.shape_cast %add3A_173 : vector<512x256xf32> to vector<1x512x256xf32>
    tpu.vector_store %arg13[%swap3A_174, %swap3A_175, %swap3A_176], %swap3A_179 {strides = array<i32>} : memref<4x512x256xf32, #tpu.memory_space<vmem>>, vector<1x512x256xf32>,
    %get3A_180 = arith.constant 1 : index
    %get3A_181 = arith.constant 0 : index
    %get3A_182 = arith.constant 0 : index
    %get3A_183 = vector.load %arg12[%get3A_180, %get3A_181, %get3A_182] : memref<4x1024x256xf32, #tpu.memory_space<vmem>>, vector<1x1024x256xf32>
    %get3A_184 = vector.shape_cast %get3A_183 : vector<1x1024x256xf32> to vector<1024x256xf32>
    %mul3A_185 = arith.mulf %add3A_173, %add3A_173 : vector<512x256xf32>
    %reduce_sum3A_186 = arith.constant dense<0.000000e+00> : vector<512xf32>
    %reduce_sum3A_187 = vector.multi_reduction <add>, %mul3A_185, %reduce_sum3A_186 [1] : vector<512x256xf32> to vector<512xf32>
    %broadcast_in_dim3A_188 = vector.shape_cast %reduce_sum3A_187 : vector<512xf32> to vector<512x1xf32>
    %mul3A_189 = arith.mulf %get3A_184, %get3A_184 : vector<1024x256xf32>
    %reduce_sum3A_190 = arith.constant dense<0.000000e+00> : vector<1024xf32>
    %reduce_sum3A_191 = vector.multi_reduction <add>, %mul3A_189, %reduce_sum3A_190 [1] : vector<1024x256xf32> to vector<1024xf32>
    %broadcast_in_dim3A_192 = vector.shape_cast %reduce_sum3A_191 : vector<1024xf32> to vector<1x1024xf32>
    %dot_general3A_193 = arith.constant dense<0.000000e+00> : vector<512x1024xf32>
    %dot_general3A_194 = tpu.matmul %add3A_173, %get3A_184, %dot_general3A_193 {dimension_numbers = #tpu.dot_dimension_numbers<[1], [1], [0], [0], [0, 0, 1, 0], [], []>, transpose_lhs_hint = false} : vector<512x256xf32>, vector<1024x256xf32>, vector<512x1024xf32> -> vector<512x1024xf32>
    %add3A_195 = vector.broadcast %broadcast_in_dim3A_188 : vector<512x1xf32> to vector<512x1024xf32>
    %add3A_196 = vector.broadcast %broadcast_in_dim3A_192 : vector<1x1024xf32> to vector<512x1024xf32>
    %add3A_197 = arith.addf %add3A_195, %add3A_196 : vector<512x1024xf32>
    %mul3A_198 = arith.constant 2.000000e+00 : f32
    %mul3A_199 = vector.broadcast %mul3A_198 : f32 to vector<512x1024xf32>
    %mul3A_200 = arith.mulf %mul3A_199, %dot_general3A_194 : vector<512x1024xf32>
    %sub3A_201 = arith.subf %add3A_197, %mul3A_200 : vector<512x1024xf32>
    %reduce_min3A_202 = arith.constant dense<0x7F800000> : vector<512xf32>
    %reduce_min3A_203 = vector.multi_reduction <minimumf>, %sub3A_201, %reduce_min3A_202 [1] : vector<512x1024xf32> to vector<512xf32>
    %broadcast_in_dim3A_204 = vector.shape_cast %reduce_min3A_203 : vector<512xf32> to vector<512x1xf32>
    %iota3A_205 = tpu.iota {dimensions = array<i32: 1>} : vector<512x1024xi32>
    %eq3A_206 = vector.broadcast %broadcast_in_dim3A_204 : vector<512x1xf32> to vector<512x1024xf32>
    %eq3A_207 = arith.cmpf oeq, %sub3A_201, %eq3A_206 : vector<512x1024xf32>
    %jit3A_208 = arith.constant 1024 : i32
    %broadcast_in_dim3A_209 = vector.broadcast %jit3A_208 : i32 to vector<512x1024xi32>
    %select_n3A_210 = arith.select %eq3A_207, %iota3A_205, %broadcast_in_dim3A_209 : vector<512x1024xi1>, vector<512x1024xi32>
    %reduce_min3A_211 = arith.constant dense<2147483647> : vector<512xi32>
    %reduce_min3A_212 = vector.multi_reduction <minsi>, %select_n3A_210, %reduce_min3A_211 [1] : vector<512x1024xi32> to vector<512xi32>
    %add3A_213 = arith.constant 1024 : i32
    %add3A_214 = vector.broadcast %add3A_213 : i32 to vector<512xi32>
    %add3A_215 = arith.addi %reduce_min3A_212, %add3A_214 : vector<512xi32>
    %swap3A_216 = arith.constant 1 : index
    %swap3A_217 = arith.constant 0 : index
    %swap3A_218 = vector.load %arg14[%swap3A_216, %swap3A_217] : memref<4x512xi32, #tpu.memory_space<vmem>>, vector<1x512xi32>
    %swap3A_219 = vector.shape_cast %swap3A_218 : vector<1x512xi32> to vector<512xi32>
    %swap3A_220 = vector.shape_cast %add3A_215 : vector<512xi32> to vector<1x512xi32>
    tpu.vector_store %arg14[%swap3A_216, %swap3A_217], %swap3A_220 {strides = array<i32>} : memref<4x512xi32, #tpu.memory_space<vmem>>, vector<1x512xi32>,
    %get3A_221 = arith.constant 2 : index
    %get3A_222 = arith.constant 0 : index
    %get3A_223 = arith.constant 0 : index
    %get3A_224 = vector.load %arg2[%get3A_221, %get3A_222, %get3A_223] : memref<4x128x512xf32, #tpu.memory_space<vmem>>, vector<1x128x512xf32>
    %get3A_225 = vector.shape_cast %get3A_224 : vector<1x128x512xf32> to vector<128x512xf32>
    %dot_general3A_226 = arith.constant dense<0.000000e+00> : vector<512x128xf32>
    %dot_general3A_227 = tpu.matmul %get3A_1, %get3A_225, %dot_general3A_226 {dimension_numbers = #tpu.dot_dimension_numbers<[1], [1], [0], [0], [0, 0, 1, 0], [], []>, transpose_lhs_hint = false} : vector<512x512xf32>, vector<128x512xf32>, vector<512x128xf32> -> vector<512x128xf32>
    %get3A_228 = arith.constant 2 : index
    %get3A_229 = arith.constant 0 : index
    %get3A_230 = vector.load %arg3[%get3A_228, %get3A_229] : memref<4x128xf32, #tpu.memory_space<vmem>>, vector<1x128xf32>
    %add3A_231 = vector.broadcast %get3A_230 : vector<1x128xf32> to vector<512x128xf32>
    %add3A_232 = arith.addf %dot_general3A_227, %add3A_231 : vector<512x128xf32>
    %get3A_233 = arith.constant 2 : index
    %get3A_234 = arith.constant 0 : index
    %get3A_235 = vector.load %arg4[%get3A_233, %get3A_234] : memref<4x128xf32, #tpu.memory_space<vmem>>, vector<1x128xf32>
    %get3A_236 = arith.constant 2 : index
    %get3A_237 = arith.constant 0 : index
    %get3A_238 = vector.load %arg5[%get3A_236, %get3A_237] : memref<4x128xf32, #tpu.memory_space<vmem>>, vector<1x128xf32>
    %sqrt3A_239 = arith.constant 1.000010e+00 : f32
    %sqrt3A_240 = math.sqrt %sqrt3A_239 : f32
    %div3A_241 = vector.broadcast %sqrt3A_240 : f32 to vector<512x128xf32>
    %div3A_242 = arith.divf %add3A_232, %div3A_241 : vector<512x128xf32>
    %mul3A_243 = vector.broadcast %get3A_235 : vector<1x128xf32> to vector<512x128xf32>
    %mul3A_244 = arith.mulf %div3A_242, %mul3A_243 : vector<512x128xf32>
    %add3A_245 = vector.broadcast %get3A_238 : vector<1x128xf32> to vector<512x128xf32>
    %add3A_246 = arith.addf %mul3A_244, %add3A_245 : vector<512x128xf32>
    %max3A_247 = arith.constant 0.000000e+00 : f32
    %max3A_248 = vector.broadcast %max3A_247 : f32 to vector<512x128xf32>
    %max3A_249 = arith.maximumf %add3A_246, %max3A_248 : vector<512x128xf32>
    %get3A_250 = arith.constant 2 : index
    %get3A_251 = arith.constant 0 : index
    %get3A_252 = arith.constant 0 : index
    %get3A_253 = vector.load %arg6[%get3A_250, %get3A_251, %get3A_252] : memref<4x256x128xf32, #tpu.memory_space<vmem>>, vector<1x256x128xf32>
    %get3A_254 = vector.shape_cast %get3A_253 : vector<1x256x128xf32> to vector<256x128xf32>
    %dot_general3A_255 = arith.constant dense<0.000000e+00> : vector<512x256xf32>
    %dot_general3A_256 = tpu.matmul %max3A_249, %get3A_254, %dot_general3A_255 {dimension_numbers = #tpu.dot_dimension_numbers<[1], [1], [0], [0], [0, 0, 1, 0], [], []>, transpose_lhs_hint = false} : vector<512x128xf32>, vector<256x128xf32>, vector<512x256xf32> -> vector<512x256xf32>
    %get3A_257 = arith.constant 2 : index
    %get3A_258 = arith.constant 0 : index
    %get3A_259 = vector.load %arg7[%get3A_257, %get3A_258] : memref<4x256xf32, #tpu.memory_space<vmem>>, vector<1x256xf32>
    %add3A_260 = vector.broadcast %get3A_259 : vector<1x256xf32> to vector<512x256xf32>
    %add3A_261 = arith.addf %dot_general3A_256, %add3A_260 : vector<512x256xf32>
    %get3A_262 = arith.constant 2 : index
    %get3A_263 = arith.constant 0 : index
    %get3A_264 = vector.load %arg8[%get3A_262, %get3A_263] : memref<4x256xf32, #tpu.memory_space<vmem>>, vector<1x256xf32>
    %get3A_265 = arith.constant 2 : index
    %get3A_266 = arith.constant 0 : index
    %get3A_267 = vector.load %arg9[%get3A_265, %get3A_266] : memref<4x256xf32, #tpu.memory_space<vmem>>, vector<1x256xf32>
    %sqrt3A_268 = arith.constant 1.000010e+00 : f32
    %sqrt3A_269 = math.sqrt %sqrt3A_268 : f32
    %div3A_270 = vector.broadcast %sqrt3A_269 : f32 to vector<512x256xf32>
    %div3A_271 = arith.divf %add3A_261, %div3A_270 : vector<512x256xf32>
    %mul3A_272 = vector.broadcast %get3A_264 : vector<1x256xf32> to vector<512x256xf32>
    %mul3A_273 = arith.mulf %div3A_271, %mul3A_272 : vector<512x256xf32>
    %add3A_274 = vector.broadcast %get3A_267 : vector<1x256xf32> to vector<512x256xf32>
    %add3A_275 = arith.addf %mul3A_273, %add3A_274 : vector<512x256xf32>
    %max3A_276 = arith.constant 0.000000e+00 : f32
    %max3A_277 = vector.broadcast %max3A_276 : f32 to vector<512x256xf32>
    %max3A_278 = arith.maximumf %add3A_275, %max3A_277 : vector<512x256xf32>
    %get3A_279 = arith.constant 2 : index
    %get3A_280 = arith.constant 0 : index
    %get3A_281 = arith.constant 0 : index
    %get3A_282 = vector.load %arg10[%get3A_279, %get3A_280, %get3A_281] : memref<4x256x256xf32, #tpu.memory_space<vmem>>, vector<1x256x256xf32>
    %get3A_283 = vector.shape_cast %get3A_282 : vector<1x256x256xf32> to vector<256x256xf32>
    %dot_general3A_284 = arith.constant dense<0.000000e+00> : vector<512x256xf32>
    %dot_general3A_285 = tpu.matmul %max3A_278, %get3A_283, %dot_general3A_284 {dimension_numbers = #tpu.dot_dimension_numbers<[1], [1], [0], [0], [0, 0, 1, 0], [], []>, transpose_lhs_hint = false} : vector<512x256xf32>, vector<256x256xf32>, vector<512x256xf32> -> vector<512x256xf32>
    %get3A_286 = arith.constant 2 : index
    %get3A_287 = arith.constant 0 : index
    %get3A_288 = vector.load %arg11[%get3A_286, %get3A_287] : memref<4x256xf32, #tpu.memory_space<vmem>>, vector<1x256xf32>
    %add3A_289 = vector.broadcast %get3A_288 : vector<1x256xf32> to vector<512x256xf32>
    %add3A_290 = arith.addf %dot_general3A_285, %add3A_289 : vector<512x256xf32>
    %swap3A_291 = arith.constant 2 : index
    %swap3A_292 = arith.constant 0 : index
    %swap3A_293 = arith.constant 0 : index
    %swap3A_294 = vector.load %arg13[%swap3A_291, %swap3A_292, %swap3A_293] : memref<4x512x256xf32, #tpu.memory_space<vmem>>, vector<1x512x256xf32>
    %swap3A_295 = vector.shape_cast %swap3A_294 : vector<1x512x256xf32> to vector<512x256xf32>
    %swap3A_296 = vector.shape_cast %add3A_290 : vector<512x256xf32> to vector<1x512x256xf32>
    tpu.vector_store %arg13[%swap3A_291, %swap3A_292, %swap3A_293], %swap3A_296 {strides = array<i32>} : memref<4x512x256xf32, #tpu.memory_space<vmem>>, vector<1x512x256xf32>,
    %get3A_297 = arith.constant 2 : index
    %get3A_298 = arith.constant 0 : index
    %get3A_299 = arith.constant 0 : index
    %get3A_300 = vector.load %arg12[%get3A_297, %get3A_298, %get3A_299] : memref<4x1024x256xf32, #tpu.memory_space<vmem>>, vector<1x1024x256xf32>
    %get3A_301 = vector.shape_cast %get3A_300 : vector<1x1024x256xf32> to vector<1024x256xf32>
    %mul3A_302 = arith.mulf %add3A_290, %add3A_290 : vector<512x256xf32>
    %reduce_sum3A_303 = arith.constant dense<0.000000e+00> : vector<512xf32>
    %reduce_sum3A_304 = vector.multi_reduction <add>, %mul3A_302, %reduce_sum3A_303 [1] : vector<512x256xf32> to vector<512xf32>
    %broadcast_in_dim3A_305 = vector.shape_cast %reduce_sum3A_304 : vector<512xf32> to vector<512x1xf32>
    %mul3A_306 = arith.mulf %get3A_301, %get3A_301 : vector<1024x256xf32>
    %reduce_sum3A_307 = arith.constant dense<0.000000e+00> : vector<1024xf32>
    %reduce_sum3A_308 = vector.multi_reduction <add>, %mul3A_306, %reduce_sum3A_307 [1] : vector<1024x256xf32> to vector<1024xf32>
    %broadcast_in_dim3A_309 = vector.shape_cast %reduce_sum3A_308 : vector<1024xf32> to vector<1x1024xf32>
    %dot_general3A_310 = arith.constant dense<0.000000e+00> : vector<512x1024xf32>
    %dot_general3A_311 = tpu.matmul %add3A_290, %get3A_301, %dot_general3A_310 {dimension_numbers = #tpu.dot_dimension_numbers<[1], [1], [0], [0], [0, 0, 1, 0], [], []>, transpose_lhs_hint = false} : vector<512x256xf32>, vector<1024x256xf32>, vector<512x1024xf32> -> vector<512x1024xf32>
    %add3A_312 = vector.broadcast %broadcast_in_dim3A_305 : vector<512x1xf32> to vector<512x1024xf32>
    %add3A_313 = vector.broadcast %broadcast_in_dim3A_309 : vector<1x1024xf32> to vector<512x1024xf32>
    %add3A_314 = arith.addf %add3A_312, %add3A_313 : vector<512x1024xf32>
    %mul3A_315 = arith.constant 2.000000e+00 : f32
    %mul3A_316 = vector.broadcast %mul3A_315 : f32 to vector<512x1024xf32>
    %mul3A_317 = arith.mulf %mul3A_316, %dot_general3A_311 : vector<512x1024xf32>
    %sub3A_318 = arith.subf %add3A_314, %mul3A_317 : vector<512x1024xf32>
    %reduce_min3A_319 = arith.constant dense<0x7F800000> : vector<512xf32>
    %reduce_min3A_320 = vector.multi_reduction <minimumf>, %sub3A_318, %reduce_min3A_319 [1] : vector<512x1024xf32> to vector<512xf32>
    %broadcast_in_dim3A_321 = vector.shape_cast %reduce_min3A_320 : vector<512xf32> to vector<512x1xf32>
    %iota3A_322 = tpu.iota {dimensions = array<i32: 1>} : vector<512x1024xi32>
    %eq3A_323 = vector.broadcast %broadcast_in_dim3A_321 : vector<512x1xf32> to vector<512x1024xf32>
    %eq3A_324 = arith.cmpf oeq, %sub3A_318, %eq3A_323 : vector<512x1024xf32>
    %jit3A_325 = arith.constant 1024 : i32
    %broadcast_in_dim3A_326 = vector.broadcast %jit3A_325 : i32 to vector<512x1024xi32>
    %select_n3A_327 = arith.select %eq3A_324, %iota3A_322, %broadcast_in_dim3A_326 : vector<512x1024xi1>, vector<512x1024xi32>
    %reduce_min3A_328 = arith.constant dense<2147483647> : vector<512xi32>
    %reduce_min3A_329 = vector.multi_reduction <minsi>, %select_n3A_327, %reduce_min3A_328 [1] : vector<512x1024xi32> to vector<512xi32>
    %add3A_330 = arith.constant 2048 : i32
    %add3A_331 = vector.broadcast %add3A_330 : i32 to vector<512xi32>
    %add3A_332 = arith.addi %reduce_min3A_329, %add3A_331 : vector<512xi32>
    %swap3A_333 = arith.constant 2 : index
    %swap3A_334 = arith.constant 0 : index
    %swap3A_335 = vector.load %arg14[%swap3A_333, %swap3A_334] : memref<4x512xi32, #tpu.memory_space<vmem>>, vector<1x512xi32>
    %swap3A_336 = vector.shape_cast %swap3A_335 : vector<1x512xi32> to vector<512xi32>
    %swap3A_337 = vector.shape_cast %add3A_332 : vector<512xi32> to vector<1x512xi32>
    tpu.vector_store %arg14[%swap3A_333, %swap3A_334], %swap3A_337 {strides = array<i32>} : memref<4x512xi32, #tpu.memory_space<vmem>>, vector<1x512xi32>,
    %get3A_338 = arith.constant 3 : index
    %get3A_339 = arith.constant 0 : index
    %get3A_340 = arith.constant 0 : index
    %get3A_341 = vector.load %arg2[%get3A_338, %get3A_339, %get3A_340] : memref<4x128x512xf32, #tpu.memory_space<vmem>>, vector<1x128x512xf32>
    %get3A_342 = vector.shape_cast %get3A_341 : vector<1x128x512xf32> to vector<128x512xf32>
    %dot_general3A_343 = arith.constant dense<0.000000e+00> : vector<512x128xf32>
    %dot_general3A_344 = tpu.matmul %get3A_1, %get3A_342, %dot_general3A_343 {dimension_numbers = #tpu.dot_dimension_numbers<[1], [1], [0], [0], [0, 0, 1, 0], [], []>, transpose_lhs_hint = false} : vector<512x512xf32>, vector<128x512xf32>, vector<512x128xf32> -> vector<512x128xf32>
    %get3A_345 = arith.constant 3 : index
    %get3A_346 = arith.constant 0 : index
    %get3A_347 = vector.load %arg3[%get3A_345, %get3A_346] : memref<4x128xf32, #tpu.memory_space<vmem>>, vector<1x128xf32>
    %add3A_348 = vector.broadcast %get3A_347 : vector<1x128xf32> to vector<512x128xf32>
    %add3A_349 = arith.addf %dot_general3A_344, %add3A_348 : vector<512x128xf32>
    %get3A_350 = arith.constant 3 : index
    %get3A_351 = arith.constant 0 : index
    %get3A_352 = vector.load %arg4[%get3A_350, %get3A_351] : memref<4x128xf32, #tpu.memory_space<vmem>>, vector<1x128xf32>
    %get3A_353 = arith.constant 3 : index
    %get3A_354 = arith.constant 0 : index
    %get3A_355 = vector.load %arg5[%get3A_353, %get3A_354] : memref<4x128xf32, #tpu.memory_space<vmem>>, vector<1x128xf32>
    %sqrt3A_356 = arith.constant 1.000010e+00 : f32
    %sqrt3A_357 = math.sqrt %sqrt3A_356 : f32
    %div3A_358 = vector.broadcast %sqrt3A_357 : f32 to vector<512x128xf32>
    %div3A_359 = arith.divf %add3A_349, %div3A_358 : vector<512x128xf32>
    %mul3A_360 = vector.broadcast %get3A_352 : vector<1x128xf32> to vector<512x128xf32>
    %mul3A_361 = arith.mulf %div3A_359, %mul3A_360 : vector<512x128xf32>
    %add3A_362 = vector.broadcast %get3A_355 : vector<1x128xf32> to vector<512x128xf32>
    %add3A_363 = arith.addf %mul3A_361, %add3A_362 : vector<512x128xf32>
    %max3A_364 = arith.constant 0.000000e+00 : f32
    %max3A_365 = vector.broadcast %max3A_364 : f32 to vector<512x128xf32>
    %max3A_366 = arith.maximumf %add3A_363, %max3A_365 : vector<512x128xf32>
    %get3A_367 = arith.constant 3 : index
    %get3A_368 = arith.constant 0 : index
    %get3A_369 = arith.constant 0 : index
    %get3A_370 = vector.load %arg6[%get3A_367, %get3A_368, %get3A_369] : memref<4x256x128xf32, #tpu.memory_space<vmem>>, vector<1x256x128xf32>
    %get3A_371 = vector.shape_cast %get3A_370 : vector<1x256x128xf32> to vector<256x128xf32>
    %dot_general3A_372 = arith.constant dense<0.000000e+00> : vector<512x256xf32>
    %dot_general3A_373 = tpu.matmul %max3A_366, %get3A_371, %dot_general3A_372 {dimension_numbers = #tpu.dot_dimension_numbers<[1], [1], [0], [0], [0, 0, 1, 0], [], []>, transpose_lhs_hint = false} : vector<512x128xf32>, vector<256x128xf32>, vector<512x256xf32> -> vector<512x256xf32>
    %get3A_374 = arith.constant 3 : index
    %get3A_375 = arith.constant 0 : index
    %get3A_376 = vector.load %arg7[%get3A_374, %get3A_375] : memref<4x256xf32, #tpu.memory_space<vmem>>, vector<1x256xf32>
    %add3A_377 = vector.broadcast %get3A_376 : vector<1x256xf32> to vector<512x256xf32>
    %add3A_378 = arith.addf %dot_general3A_373, %add3A_377 : vector<512x256xf32>
    %get3A_379 = arith.constant 3 : index
    %get3A_380 = arith.constant 0 : index
    %get3A_381 = vector.load %arg8[%get3A_379, %get3A_380] : memref<4x256xf32, #tpu.memory_space<vmem>>, vector<1x256xf32>
    %get3A_382 = arith.constant 3 : index
    %get3A_383 = arith.constant 0 : index
    %get3A_384 = vector.load %arg9[%get3A_382, %get3A_383] : memref<4x256xf32, #tpu.memory_space<vmem>>, vector<1x256xf32>
    %sqrt3A_385 = arith.constant 1.000010e+00 : f32
    %sqrt3A_386 = math.sqrt %sqrt3A_385 : f32
    %div3A_387 = vector.broadcast %sqrt3A_386 : f32 to vector<512x256xf32>
    %div3A_388 = arith.divf %add3A_378, %div3A_387 : vector<512x256xf32>
    %mul3A_389 = vector.broadcast %get3A_381 : vector<1x256xf32> to vector<512x256xf32>
    %mul3A_390 = arith.mulf %div3A_388, %mul3A_389 : vector<512x256xf32>
    %add3A_391 = vector.broadcast %get3A_384 : vector<1x256xf32> to vector<512x256xf32>
    %add3A_392 = arith.addf %mul3A_390, %add3A_391 : vector<512x256xf32>
    %max3A_393 = arith.constant 0.000000e+00 : f32
    %max3A_394 = vector.broadcast %max3A_393 : f32 to vector<512x256xf32>
    %max3A_395 = arith.maximumf %add3A_392, %max3A_394 : vector<512x256xf32>
    %get3A_396 = arith.constant 3 : index
    %get3A_397 = arith.constant 0 : index
    %get3A_398 = arith.constant 0 : index
    %get3A_399 = vector.load %arg10[%get3A_396, %get3A_397, %get3A_398] : memref<4x256x256xf32, #tpu.memory_space<vmem>>, vector<1x256x256xf32>
    %get3A_400 = vector.shape_cast %get3A_399 : vector<1x256x256xf32> to vector<256x256xf32>
    %dot_general3A_401 = arith.constant dense<0.000000e+00> : vector<512x256xf32>
    %dot_general3A_402 = tpu.matmul %max3A_395, %get3A_400, %dot_general3A_401 {dimension_numbers = #tpu.dot_dimension_numbers<[1], [1], [0], [0], [0, 0, 1, 0], [], []>, transpose_lhs_hint = false} : vector<512x256xf32>, vector<256x256xf32>, vector<512x256xf32> -> vector<512x256xf32>
    %get3A_403 = arith.constant 3 : index
    %get3A_404 = arith.constant 0 : index
    %get3A_405 = vector.load %arg11[%get3A_403, %get3A_404] : memref<4x256xf32, #tpu.memory_space<vmem>>, vector<1x256xf32>
    %add3A_406 = vector.broadcast %get3A_405 : vector<1x256xf32> to vector<512x256xf32>
    %add3A_407 = arith.addf %dot_general3A_402, %add3A_406 : vector<512x256xf32>
    %swap3A_408 = arith.constant 3 : index
    %swap3A_409 = arith.constant 0 : index
    %swap3A_410 = arith.constant 0 : index
    %swap3A_411 = vector.load %arg13[%swap3A_408, %swap3A_409, %swap3A_410] : memref<4x512x256xf32, #tpu.memory_space<vmem>>, vector<1x512x256xf32>
    %swap3A_412 = vector.shape_cast %swap3A_411 : vector<1x512x256xf32> to vector<512x256xf32>
    %swap3A_413 = vector.shape_cast %add3A_407 : vector<512x256xf32> to vector<1x512x256xf32>
    tpu.vector_store %arg13[%swap3A_408, %swap3A_409, %swap3A_410], %swap3A_413 {strides = array<i32>} : memref<4x512x256xf32, #tpu.memory_space<vmem>>, vector<1x512x256xf32>,
    %get3A_414 = arith.constant 3 : index
    %get3A_415 = arith.constant 0 : index
    %get3A_416 = arith.constant 0 : index
    %get3A_417 = vector.load %arg12[%get3A_414, %get3A_415, %get3A_416] : memref<4x1024x256xf32, #tpu.memory_space<vmem>>, vector<1x1024x256xf32>
    %get3A_418 = vector.shape_cast %get3A_417 : vector<1x1024x256xf32> to vector<1024x256xf32>
    %mul3A_419 = arith.mulf %add3A_407, %add3A_407 : vector<512x256xf32>
    %reduce_sum3A_420 = arith.constant dense<0.000000e+00> : vector<512xf32>
    %reduce_sum3A_421 = vector.multi_reduction <add>, %mul3A_419, %reduce_sum3A_420 [1] : vector<512x256xf32> to vector<512xf32>
    %broadcast_in_dim3A_422 = vector.shape_cast %reduce_sum3A_421 : vector<512xf32> to vector<512x1xf32>
    %mul3A_423 = arith.mulf %get3A_418, %get3A_418 : vector<1024x256xf32>
    %reduce_sum3A_424 = arith.constant dense<0.000000e+00> : vector<1024xf32>
    %reduce_sum3A_425 = vector.multi_reduction <add>, %mul3A_423, %reduce_sum3A_424 [1] : vector<1024x256xf32> to vector<1024xf32>
    %broadcast_in_dim3A_426 = vector.shape_cast %reduce_sum3A_425 : vector<1024xf32> to vector<1x1024xf32>
    %dot_general3A_427 = arith.constant dense<0.000000e+00> : vector<512x1024xf32>
    %dot_general3A_428 = tpu.matmul %add3A_407, %get3A_418, %dot_general3A_427 {dimension_numbers = #tpu.dot_dimension_numbers<[1], [1], [0], [0], [0, 0, 1, 0], [], []>, transpose_lhs_hint = false} : vector<512x256xf32>, vector<1024x256xf32>, vector<512x1024xf32> -> vector<512x1024xf32>
    %add3A_429 = vector.broadcast %broadcast_in_dim3A_422 : vector<512x1xf32> to vector<512x1024xf32>
    %add3A_430 = vector.broadcast %broadcast_in_dim3A_426 : vector<1x1024xf32> to vector<512x1024xf32>
    %add3A_431 = arith.addf %add3A_429, %add3A_430 : vector<512x1024xf32>
    %mul3A_432 = arith.constant 2.000000e+00 : f32
    %mul3A_433 = vector.broadcast %mul3A_432 : f32 to vector<512x1024xf32>
    %mul3A_434 = arith.mulf %mul3A_433, %dot_general3A_428 : vector<512x1024xf32>
    %sub3A_435 = arith.subf %add3A_431, %mul3A_434 : vector<512x1024xf32>
    %reduce_min3A_436 = arith.constant dense<0x7F800000> : vector<512xf32>
    %reduce_min3A_437 = vector.multi_reduction <minimumf>, %sub3A_435, %reduce_min3A_436 [1] : vector<512x1024xf32> to vector<512xf32>
    %broadcast_in_dim3A_438 = vector.shape_cast %reduce_min3A_437 : vector<512xf32> to vector<512x1xf32>
    %iota3A_439 = tpu.iota {dimensions = array<i32: 1>} : vector<512x1024xi32>
    %eq3A_440 = vector.broadcast %broadcast_in_dim3A_438 : vector<512x1xf32> to vector<512x1024xf32>
    %eq3A_441 = arith.cmpf oeq, %sub3A_435, %eq3A_440 : vector<512x1024xf32>
    %jit3A_442 = arith.constant 1024 : i32
    %broadcast_in_dim3A_443 = vector.broadcast %jit3A_442 : i32 to vector<512x1024xi32>
    %select_n3A_444 = arith.select %eq3A_441, %iota3A_439, %broadcast_in_dim3A_443 : vector<512x1024xi1>, vector<512x1024xi32>
    %reduce_min3A_445 = arith.constant dense<2147483647> : vector<512xi32>
    %reduce_min3A_446 = vector.multi_reduction <minsi>, %select_n3A_444, %reduce_min3A_445 [1] : vector<512x1024xi32> to vector<512xi32>
    %add3A_447 = arith.constant 3072 : i32
    %add3A_448 = vector.broadcast %add3A_447 : i32 to vector<512xi32>
    %add3A_449 = arith.addi %reduce_min3A_446, %add3A_448 : vector<512xi32>
    %swap3A_450 = arith.constant 3 : index
    %swap3A_451 = arith.constant 0 : index
    %swap3A_452 = vector.load %arg14[%swap3A_450, %swap3A_451] : memref<4x512xi32, #tpu.memory_space<vmem>>, vector<1x512xi32>
    %swap3A_453 = vector.shape_cast %swap3A_452 : vector<1x512xi32> to vector<512xi32>
    %swap3A_454 = vector.shape_cast %add3A_449 : vector<512xi32> to vector<1x512xi32>
    tpu.vector_store %arg14[%swap3A_450, %swap3A_451], %swap3A_454 {strides = array<i32>} : memref<4x512xi32, #tpu.memory_space<vmem>>, vector<1x512xi32>,
    return
  }
  func.func @transform_0(%arg0: i32) -> (i32, i32) {
    %c0_i32 = arith.constant 0 : i32
    %c0_i32_0 = arith.constant 0 : i32
    return %arg0, %c0_i32 : i32, i32
  }
  func.func @transform_1(%arg0: i32) -> (i32, i32, i32) {
    %c0_i32 = arith.constant 0 : i32
    %c0_i32_0 = arith.constant 0 : i32
    %c0_i32_1 = arith.constant 0 : i32
    %c0_i32_2 = arith.constant 0 : i32
    return %c0_i32, %c0_i32_0, %c0_i32_1 : i32, i32, i32
  }
  func.func @transform_2(%arg0: i32) -> (i32, i32) {
    %c0_i32 = arith.constant 0 : i32
    %c0_i32_0 = arith.constant 0 : i32
    %c0_i32_1 = arith.constant 0 : i32
    return %c0_i32, %c0_i32_0 : i32, i32
  }
  func.func @transform_3(%arg0: i32) -> (i32, i32) {
    %c0_i32 = arith.constant 0 : i32
    %c0_i32_0 = arith.constant 0 : i32
    %c0_i32_1 = arith.constant 0 : i32
    return %c0_i32, %c0_i32_0 : i32, i32
  }
  func.func @transform_4(%arg0: i32) -> (i32, i32) {
    %c0_i32 = arith.constant 0 : i32
    %c0_i32_0 = arith.constant 0 : i32
    %c0_i32_1 = arith.constant 0 : i32
    return %c0_i32, %c0_i32_0 : i32, i32
  }
  func.func @transform_5(%arg0: i32) -> (i32, i32, i32) {
    %c0_i32 = arith.constant 0 : i32
    %c0_i32_0 = arith.constant 0 : i32
    %c0_i32_1 = arith.constant 0 : i32
    %c0_i32_2 = arith.constant 0 : i32
    return %c0_i32, %c0_i32_0, %c0_i32_1 : i32, i32, i32
  }
  func.func @transform_6(%arg0: i32) -> (i32, i32) {
    %c0_i32 = arith.constant 0 : i32
    %c0_i32_0 = arith.constant 0 : i32
    %c0_i32_1 = arith.constant 0 : i32
    return %c0_i32, %c0_i32_0 : i32, i32
  }
  func.func @transform_7(%arg0: i32) -> (i32, i32) {
    %c0_i32 = arith.constant 0 : i32
    %c0_i32_0 = arith.constant 0 : i32
    %c0_i32_1 = arith.constant 0 : i32
    return %c0_i32, %c0_i32_0 : i32, i32
  }
  func.func @transform_8(%arg0: i32) -> (i32, i32) {
    %c0_i32 = arith.constant 0 : i32
    %c0_i32_0 = arith.constant 0 : i32
    %c0_i32_1 = arith.constant 0 : i32
    return %c0_i32, %c0_i32_0 : i32, i32
  }
  func.func @transform_9(%arg0: i32) -> (i32, i32, i32) {
    %c0_i32 = arith.constant 0 : i32
    %c0_i32_0 = arith.constant 0 : i32
    %c0_i32_1 = arith.constant 0 : i32
    %c0_i32_2 = arith.constant 0 : i32
    return %c0_i32, %c0_i32_0, %c0_i32_1 : i32, i32, i32
  }
  func.func @transform_10(%arg0: i32) -> (i32, i32) {
    %c0_i32 = arith.constant 0 : i32
    %c0_i32_0 = arith.constant 0 : i32
    %c0_i32_1 = arith.constant 0 : i32
    return %c0_i32, %c0_i32_0 : i32, i32
  }
  func.func @transform_11(%arg0: i32) -> (i32, i32, i32) {
    %c0_i32 = arith.constant 0 : i32
    %c0_i32_0 = arith.constant 0 : i32
    %c0_i32_1 = arith.constant 0 : i32
    %c0_i32_2 = arith.constant 0 : i32
    return %c0_i32, %c0_i32_0, %c0_i32_1 : i32, i32, i32
  }
  func.func @transform_12(%arg0: i32) -> (i32, i32, i32) {
    %c0_i32 = arith.constant 0 : i32
    %c0_i32_0 = arith.constant 0 : i32
    %c0_i32_1 = arith.constant 0 : i32
    return %c0_i32, %arg0, %c0_i32_0 : i32, i32, i32
  }
  func.func @transform_13(%arg0: i32) -> (i32, i32) {
    %c0_i32 = arith.constant 0 : i32
    %c0_i32_0 = arith.constant 0 : i32
    return %c0_i32, %arg0 : i32, i32
  }
}

</mosaic_0001>

<sc_bundles>
// kernel: kernel.5.cloned.1.call-start
scs
__scs_entry_jumppad:
0x0: {  	(pc) =	sbr.rel $0x88, $3  }
0x1: {  	(tag) =	ssettag $0x0;
	lr =	simm.s32 $0x1  }
0x2: {  	[smem:$0x3F8B] =	sst lr;
	_ =	strace $0xD0000000  }
0x3: {  	_ = 	snop  }
0x4: {  	_ = 	snop  }
0x5: {  	_ = 	snop  }
0x6: {  	_ = 	snop  }
0x7: {  	_ = 	snop  }
__scs_overlays_trampoline_lowered:
0x8: {  	[smem:$0x3F9A] =	sst s0  }
0x9: {  	[smem:$0x3F9B] =	sst s1  }
0xa: {  	[smem:$0x3F9C] =	sst s2  }
0xb: {  	[smem:$0x3F9D] =	sst s3  }
0xc: {  	[smem:$0x3F9E] =	sst s4  }
0xd: {  	[smem:$0x3F9F] =	sst s5  }
0xe: {  	[smem:$0x3FA0] =	sst s6  }
0xf: {  	[smem:$0x3FA1] =	sst s7  }
0x10: {  	[smem:$0x3FA2] =	sst s8  }
0x11: {  	[smem:$0x3FA3] =	sst s9;
	s0 =	simm.s32 @!p0 $0x0  }
0x12: {  	s1 =	sld [smem:$0x3F89];
	s0 =	simm.s32 @p0 $0x1  }
0x13: {  	[smem:$0x3FA4] =	sst s0;
	s0 =	simm.s32 @!p1 $0x0  }
0x14: {  	s2 =	sld [smem:$0x3F88];
	s0 =	simm.s32 @p1 $0x1  }
0x15: {  	[smem:$0x3FA5] =	sst s0;
	s0 =	simm.s32 @!p2 $0x0  }
0x16: {  	s3 =	sld [smem:$0x3FDB];
	s0 =	simm.s32 @p2 $0x1  }
0x17: {  	s4 =	simm.s32 $0x1BF5;
	[smem:$0x3FA7] =	sst s0  }
0x18: {  	s0 =	sld [smem:$0x3F8A];
	_ =	swait.ge [sflag:s4], $0x0  }
0x19: {  	s7 =	sld [smem:$0x3F8B]  }
0x1a: {  	s8 =	sadd.s32 $0xFFFFE003, lr  }
0x1b: {  	s9 =	sadd.s32 $0xFFFFFEF7, lr;
	s5 =	simm.s32 $0xFFFFFFFF;
	p2 =	slt.u32 s8, $0xFFFFF086  }
0x1c: {  	p1 =	slt.u32 s9, $0xF7A;
	s5 =	simm.s32 @!p2 $0x0  }
0x1d: {  	s5 =	simm.s32 @p1 $0x1;
	p0 =	seq.s32 s7, s2  }
0x1e: {  	s7 =	smul.u32 @!p0 $0xF7A, s2;
	p2 =	seq.s32 @!p0 s5, $0x0  }
0x1f: {  	s9 =	smul.u32 $0xF7A, s1;
	s8 =	simm.s32 @!p0 $0x1BF5;
	p2 =	por !p2, p0  }
0x20: {  	[sflag:s8] =	ssyncset.s32 @!p0 $0xFFFFF086;
	s6 =	sadd.s32 @!p0 s3, s7;
	s7 =	simm.s32 @!p0 $0x108  }
0x21: {  	s3 =	sadd.s32 s3, s9;
	s6 =	sadd.s32 @!p0 $0x88, s6;
	s7 =	simm.s32 @p2 $0x1082  }
0x22: {  	[simem:s7], [sflag:s8] =	dma.local @!p0 [hbm:s6], $0xF7A  }
0x23: {  	s9 =	sor.u32 $0xD0000000, s2;
	s6 =	simm.s32 $0x108;
	_ =	swait.ge @!p0 [sflag:s8], $0x0  }
0x24: {  	s3 =	sadd.s32 $0x88, s3;
	s6 =	simm.s32 @!p1 $0x1082;
	[sflag:s4] =	ssyncset.s32 $0xFFFFF086  }
0x25: {  	[simem:s6], [sflag:s4] =	dma.local [hbm:s3], $0xF7A  }
0x26: {  	[smem:$0x3F8B] =	sst s1;
	(tag) =	ssettag s2;
	_ =	strace s9  }
0x27: {  	s1 =	sld [smem:$0x3F9B]  }
0x28: {  	s2 =	sld [smem:$0x3F9C]  }
0x29: {  	s4 =	sld [smem:$0x3F9E]  }
0x2a: {  	p0 =	seq.s32 s5, $0x0;
	s5 =	sld [smem:$0x3F9F]  }
0x2b: {  	s6 =	sld [smem:$0x3FA0]  }
0x2c: {  	s7 =	sld [smem:$0x3FA1]  }
0x2d: {  	s3 =	simm.s32 $0x108;
	s8 =	sld [smem:$0x3FA2]  }
0x2e: {  	s3 =	simm.s32 @!p0 $0x1082;
	s9 =	sld [smem:$0x3FA3]  }
0x2f: {  	lr =	sadd.s32 s0, s3;
	s0 =	sld [smem:$0x3F9A]  }
0x30: {  	s3 =	sld [smem:$0x3F9D]  }
0x31: {  	[smem:$0x3FA6] =	sst s10  }
0x32: {  	s10 =	sld [smem:$0x3FA4];
	_ =	sdelay $0x3  }
0x33: {  	p0 =	seq.s32 s10, $0x1;
	s10 =	sld [smem:$0x3FA6];
	_ =	sdelay $0x3  }
0x34: {  	[smem:$0x3FA6] =	sst s10  }
0x35: {  	s10 =	sld [smem:$0x3FA5];
	_ =	sdelay $0x3  }
0x36: {  	p1 =	seq.s32 s10, $0x1;
	s10 =	sld [smem:$0x3FA6];
	_ =	sdelay $0x3  }
0x37: {  	[smem:$0x3FA6] =	sst s10  }
0x38: {  	s10 =	sld [smem:$0x3FA7]  }
0x39: {  	_ = 	snop;
	(pc) =	sbr.ind lr, $3  }
0x3a: {  	_ = 	snop  }
0x3b: {  	_ = 	snop  }
0x3c: {  	p2 =	seq.s32 s10, $0x1;
	s10 =	sld [smem:$0x3FA6]  }
0x3d: {  	_ =	shalt  }
0x3e: {  	_ =	shalt  }
0x3f: {  	_ =	shalt  }
0x40: {  	_ =	shalt  }
0x41: {  	_ =	shalt  }
0x42: {  	_ =	shalt  }
0x43: {  	_ =	shalt  }
0x44: {  	_ =	shalt  }
0x45: {  	_ =	shalt  }
0x46: {  	_ =	shalt  }
0x47: {  	_ =	shalt  }
0x48: {  	_ =	shalt  }
0x49: {  	_ =	shalt  }
0x4a: {  	_ =	shalt  }
0x4b: {  	_ =	shalt  }
0x4c: {  	_ =	shalt  }
0x4d: {  	_ =	shalt  }
0x4e: {  	_ =	shalt  }
0x4f: {  	_ =	shalt  }
0x50: {  	_ =	shalt  }
0x51: {  	_ =	shalt  }
0x52: {  	_ =	shalt  }
0x53: {  	_ =	shalt  }
0x54: {  	_ =	shalt  }
0x55: {  	_ =	shalt  }
0x56: {  	_ =	shalt  }
0x57: {  	_ =	shalt  }
0x58: {  	_ =	shalt  }
0x59: {  	_ =	shalt  }
0x5a: {  	_ =	shalt  }
0x5b: {  	_ =	shalt  }
0x5c: {  	_ =	shalt  }
0x5d: {  	_ =	shalt  }
0x5e: {  	_ =	shalt  }
0x5f: {  	_ =	shalt  }
0x60: {  	_ =	shalt  }
0x61: {  	_ =	shalt  }
0x62: {  	_ =	shalt  }
0x63: {  	_ =	shalt  }
0x64: {  	_ =	shalt  }
0x65: {  	_ =	shalt  }
0x66: {  	_ =	shalt  }
0x67: {  	_ =	shalt  }
0x68: {  	_ =	shalt  }
0x69: {  	_ =	shalt  }
0x6a: {  	_ =	shalt  }
0x6b: {  	_ =	shalt  }
0x6c: {  	_ =	shalt  }
0x6d: {  	_ =	shalt  }
0x6e: {  	_ =	shalt  }
0x6f: {  	_ =	shalt  }
0x70: {  	_ =	shalt  }
0x71: {  	_ =	shalt  }
0x72: {  	_ =	shalt  }
0x73: {  	_ =	shalt  }
0x74: {  	_ =	shalt  }
0x75: {  	_ =	shalt  }
0x76: {  	_ =	shalt  }
0x77: {  	_ =	shalt  }
0x78: {  	_ =	shalt  }
0x79: {  	_ =	shalt  }
0x7a: {  	_ =	shalt  }
0x7b: {  	_ =	shalt  }
0x7c: {  	_ =	shalt  }
0x7d: {  	_ =	shalt  }
0x7e: {  	_ =	shalt  }
0x7f: {  	_ =	shalt  }
0x80: {  	_ =	shalt  }
0x81: {  	_ =	shalt  }
0x82: {  	_ =	shalt  }
0x83: {  	_ =	shalt  }
0x84: {  	_ =	shalt  }
0x85: {  	_ =	shalt  }
0x86: {  	_ =	shalt  }
0x87: {  	_ =	shalt  }
.Lfunc_end0:
.L_simem_size_0:
called_computation_lowered:
.L_overlay_start_0:
0x88: {  	s2 =	sld [smem:$0x3FD9]  }
0x89: {  	s3 =	sld [smem:$0x3FFE];
	_ =	sdelay $0x1  }
0x8a: {  	s1 =	srdreg.scid  }
0x8b: {  	s0 =	sand.u32 $0x1, s1  }
0x8c: {  	s15 =	sshll.u32 s0, $0xA;
	s2 =	sadd.s32 s3, s2  }
0x8d: {  	s2 =	sadd.s32 s2, s15  }
0x8e: {  	[smem:$0x3FB2] =	sst s2  }
0x8f: {  	_ = 	snop  }
0x90: {  	s2 =	sld [smem:$0x3FD0];
	_ =	sdelay $0x2  }
0x91: {  	s4 =	simm.s32 $0xA;
	s5 =	simm.s32 $0x10;
	s16 =	sld [smem:$0x3FBE]  }
0x92: {  	[smem:s5], [sflag:s4] =	dma.local [hbm:s2], $0x1  }
0x93: {  	_ =	swait.eq [sflag:s4], $0x1  }
0x94: {  	[sflag:s4] =	ssyncset.done $0x0  }
0x95: {  	s17 =	sld [smem:$0x10];
	[sflag:s4] =	ssyncadd.s32 $0xFFFFFFFF  }
0x96: {  	s18 =	sld [smem:$0x12];
	(tm) =	ssettm $0x1  }
0x97: {  	s19 =	sld [smem:$0x3FFB];
	_ =	sdelay $0x3  }
0x98: {  	_ =	strace s19  }
0x99: {  	s5 =	sld [smem:$0x3FFC];
	_ =	sdelay $0x3  }
0x9a: {  	_ =	strace s5  }
0x9b: {  	s5 =	sld [smem:$0x3FFD];
	_ =	sdelay $0x3  }
0x9c: {  	_ =	strace s5  }
0x9d: {  	_ =	strace $0x8FFFFFFF  }
0x9e: {  	s20 =	sld [smem:$0x3FDB];
	_ =	sdelay $0x1  }
0x9f: {  	s6 =	simm.s32 $_scs_section_size  }
0xa0: {  	s7 =	simm.s32 $_size__tile_overlayer_lowered;
	s8 =	simm.s32 $_tile_overlayer_lowered  }
0xa1: {  	s23 =	simm.s32 $0x1BFF;
	s22 =	sshll.u32 s8, $0x1;
	s5 =	sadd.s32 s6, s20  }
0xa2: {  	s9 =	simm.s32 $0x0;
	s21 =	sshll.u32 s7, $0x1;
	s7 =	sadd.s32 s22, s5  }
0xa3: {  	[timem:s9], [sflag:s23] =	dma.local [hbm:s7], s21  }
0xa4: {  	_ =	swait.ge [sflag:s23], s21  }
0xa5: {  	s6 =	ssub.s32 $0x0, s21;
	[sflag:s23] =	ssyncset.done $0x0  }
0xa6: {  	[sflag:s23] =	ssyncadd.s32 s6;
	_ =	sdelay $0x1  }
0xa7: {  	s24 =	simm.s32 $0x1B8B  }
0xa8: {  	_ =	swait.ge [sflag:s24], $0x1  }
0xa9: {  	[sflag:s24] =	ssyncset.done $0x0  }
0xaa: {  	s25 =	simm.s32 $0x1B8E;
	[sflag:s24] =	ssyncadd.s32 $0xFFFFFFFF  }
0xab: {  	s26 =	simm.s32 $execute0_lowered;
	[smem:$0x3FD2] =	sst s25  }
0xac: {  	s6 =	sshll.u32 s26, $0x1;
	_ =	strace $0x80000046;
	[dreg:$0x1] =	wrdreg $0xFFFFFFFF  }
0xad: {  	s28 =	simm.s32 $_size_execute0_lowered;
	s5 =	sadd.s32 s5, s6;
	[dreg:$0x0] =	wrdreg $0x0  }
0xae: {  	s6 =	sshll.u32 s28, $0x1;
	[dreg:$0x2] =	wrdreg s5  }
0xaf: {  	[dreg:$0x3] =	wrdreg s6  }
0xb0: {  	[dreg:$0x4] =	wrdreg $0xC0  }
0xb1: {  	_ =	task [dreg:s9], $0x5FFFF  }
0xb2: {  	[dreg:$0x1] =	wrdreg $0xFFFFFFFF  }
0xb3: {  	[dreg:$0x0] =	wrdreg $0x60  }
0xb4: {  	[dreg:$0x2] =	wrdreg s16  }
0xb5: {  	[dreg:$0x3] =	wrdreg s17  }
0xb6: {  	[dreg:$0x4] =	wrdreg s18  }
0xb7: {  	[dreg:$0x5] =	wrdreg $0x9  }
0xb8: {  	_ =	task.clear_ibuf [dreg:s9], $0x6FFFF;
	_ =	strace $0x90000046  }
0xb9: {  	s29 =	simm.s32 $0x9;
	_ =	strace $0x80000048  }
0xba: {  	_ =	swait.ge [sflag:s29], $0x1  }
0xbb: {  	[sflag:s29] =	ssyncadd.s32 $0xFFFFFFFF  }
0xbc: {  	_ =	strace $0x90000048  }
0xbd: {  	_ =	sfence  }
0xbe: {  	s30 =	sld [smem:$0x0];
	_ =	sdelay $0x2  }
0xbf: {  	s31 =	sshll.u32 s1, $0xD;
	s1 =	sshrl.u32 s1, $0x2  }
0xc0: {  	s3 =	sand.u32 $0x4000, s31;
	s1 =	sadd.s32 s1, s30  }
0xc1: {  	s0 =	sor.u32 s3, s0;
	s1 =	sshll.u32 s1, $0x11  }
0xc2: {  	s0 =	sor.u32 s1, s0  }
0xc3: {  	s0 =	sadd.s32 $0x8F2B, s0  }
0xc4: {  	[sflag:s0] =	ssyncadd.remote.s32 $0x1  }
0xc5: {  	_ =	sfence.sel $0xFFFF  }
0xc6: {  	[dreg:$0x0] =	wrdreg $0xFFFFFFFF;
	(pc) =	sbr.abs _section_cstart, $3  }
0xc7: {  	[dreg:$0x1] =	wrdreg $0xFFFFFFFF  }
0xc8: {  	_ =	task.clear_ibuf [dreg:s9], $0x2FFFF;
	_ =	strace $0x9FFFFFFF  }
0xc9: {  	(tm) =	ssettm $0x7FFFFFFF  }
tec
execute0_lowered:
.L_overlay_start_1:
0x0: {  	(tag) =	ssettag $0x1  }
0x1: {  	s1 =	rddreg [dreg:$0x0]  }
0x2: {  	s10 =	rddreg [dreg:$0x1]  }
0x3: {  	s11 =	rddreg [dreg:$0x2]  }
0x4: {  	s0 =	rddreg [dreg:$0x3];
	s3 =	simm.s32 $0x0;
	s4 =	srdreg.scid  }
0x5: {  	s2 =	stileid.u32;
	s15 =	simm.s32 $0x880;
	s16 =	simm.s32 $0x1080  }
0x6: {  	s17 =	simm.s32 $0x1880;
	s18 =	simm.s32 $0x2080;
	s19 =	simm.s32 $0x2880  }
0x7: {  	s20 =	simm.s32 $0x3080;
	s21 =	simm.s32 $0x3880;
	s22 =	simm.s32 $0x4080  }
0x8: {  	s28 =	simm.s32 $0x6880;
	s29 =	simm.s32 $0x7080;
	s30 =	simm.s32 $0x7880  }
0x9: {  	s31 =	simm.s32 $0x1;
	[smem:$0x7FF] =	sst s3;
	s4 =	sand.u32 $0x1, s4  }
0xa: {  	s6 =	sshll.u32 s2, $0xA;
	s5 =	ssub.s32 $0x2, s4;
	s4 =	sshll.u32 s4, $0x9  }
0xb: {  	_ =	strace $0x80000047;
	s7 =	sshrl.u32 s5, $0x1;
	s9 =	sor.u32 s4, s6  }
0xc: {  	s12 =	ssub.s32 s5, s7;
	s4 =	sshrl.u32 s9, $0x3;
	s23 =	sshll.u32 s9, $0x5  }
0xd: {  	s6 =	sor.u32 $0x80, s9;
	s13 =	sor.u32 $0x100, s9;
	s14 =	sor.u32 $0x180, s9  }
0xe: {  	s4 =	sadd.s32 s10, s4;
	s5 =	sadd.s32 s11, s23;
	s24 =	sshrl.u32 s6, $0x3  }
0xf: {  	s8 =	sshll.u32 s6, $0x5;
	s25 =	sshrl.u32 s13, $0x3;
	s13 =	sshll.u32 s13, $0x5  }
0x10: {  	s26 =	sshrl.u32 s14, $0x3;
	s14 =	sshll.u32 s14, $0x5;
	s12 =	smax.u32 s12, $0x1  }
0x11: {  	s23 =	simm.s32 $0x4880;
	s6 =	sadd.s32 s10, s24;
	s7 =	sadd.s32 s11, s8  }
0x12: {  	v2 =	vlaneseq.u32;
	s8 =	sadd.s32 s10, s25;
	s9 =	sadd.s32 s11, s13;
	s10 =	sadd.s32 s10, s26  }
0x13: {  	vm0 =	vmmov $0xffff;
	v1 =	vshrl.u32 v2, $0x3;
	s11 =	sadd.s32 s11, s14;
	s13 =	simm.s32 $0x2;
	s14 =	simm.s32 $0x80  }
0x14: {  	v0 =	vand.u32 $0x7, v2;
	v2 =	vor.u32 $0x8, v2;
	v1 =	vmul.u32 $0x8, v1;
	s24 =	simm.s32 $0x5080;
	s25 =	simm.s32 $0x5880;
	s26 =	simm.s32 $0x6080  }
.LBB2_1:
0x15: {  	[tilespmem:s3], [sflag:$0x2] =	stream.linear.gather [hbm4b:s4+s3], $0x80, $0x38;
	[tilespmem:$0x8080] =	vst v63  }
0x16: {  	_ =	swait.ge [sflag:s13], $0x80  }
0x17: {  	[sflag:s13] =	ssyncset.done $0x0  }
0x18: {  	[sflag:s13] =	ssyncadd.s32 $0xFFFFFF80  }
0x19: {  	v3 =	vld [tilespmem:$0x0];
	_ =	sdelay $0x4  }
0x1a: {  	v4 =	vshll.u32 v3, $0x1  }
0x1b: {  	v3 =	vand.u32 $0x7, v3;
	v4 =	vand.u32 $0xFFFFFFF0, v4  }
0x1c: {  	v3 =	vor.u32 v3, v4  }
0x1d: {  	v4 =	vperm.xlane v3, v0;
	_ =	sdelay $0x1  }
0x1e: {  	v3 =	vperm.xlane v3, v2;
	v4 =	vadd.s32 v1, v4;
	_ =	sdelay $0x1  }
0x1f: {  	v3 =	vadd.s32 v1, v3;
	_ =	sdelay $0x2  }
0x20: {  	[tilespmem:s14], [sflag:$0x1] =	stream.indirect_vreg.gather [hbm4b:s1+s3], $0x80, v4, vm0, $0xb8;
	[tilespmem:$0x8080] =	vst v63  }
0x21: {  	_ = 	snop  }
0x22: {  	[tilespmem:s15], [sflag:$0x1] =	stream.indirect_vreg.gather [hbm4b:s1+s3], $0x80, v3, vm0, $0xb8;
	[tilespmem:$0x8080] =	vst v63  }
0x23: {  	v3 =	vld [tilespmem:$0x10];
	_ =	sdelay $0x4  }
0x24: {  	v33 =	vshll.u32 v3, $0x1  }
0x25: {  	v3 =	vand.u32 $0x7, v3;
	v4 =	vand.u32 $0xFFFFFFF0, v33  }
0x26: {  	v3 =	vor.u32 v3, v4  }
0x27: {  	v4 =	vperm.xlane v3, v0;
	_ =	sdelay $0x1  }
0x28: {  	v3 =	vperm.xlane v3, v2;
	v4 =	vadd.s32 v1, v4;
	_ =	sdelay $0x1  }
0x29: {  	v3 =	vadd.s32 v1, v3;
	_ =	sdelay $0x2  }
0x2a: {  	[tilespmem:s16], [sflag:$0x1] =	stream.indirect_vreg.gather [hbm4b:s1+s3], $0x80, v4, vm0, $0xb8;
	[tilespmem:$0x8080] =	vst v63  }
0x2b: {  	_ = 	snop  }
0x2c: {  	[tilespmem:s17], [sflag:$0x1] =	stream.indirect_vreg.gather [hbm4b:s1+s3], $0x80, v3, vm0, $0xb8;
	[tilespmem:$0x8080] =	vst v63  }
0x2d: {  	v3 =	vld [tilespmem:$0x20];
	_ =	sdelay $0x4  }
0x2e: {  	v34 =	vshll.u32 v3, $0x1  }
0x2f: {  	v3 =	vand.u32 $0x7, v3;
	v4 =	vand.u32 $0xFFFFFFF0, v34  }
0x30: {  	v3 =	vor.u32 v3, v4  }
0x31: {  	v4 =	vperm.xlane v3, v0;
	_ =	sdelay $0x1  }
0x32: {  	v3 =	vperm.xlane v3, v2;
	v4 =	vadd.s32 v1, v4;
	_ =	sdelay $0x1  }
0x33: {  	v3 =	vadd.s32 v1, v3;
	_ =	sdelay $0x2  }
0x34: {  	[tilespmem:s18], [sflag:$0x1] =	stream.indirect_vreg.gather [hbm4b:s1+s3], $0x80, v4, vm0, $0xb8;
	[tilespmem:$0x8080] =	vst v63  }
0x35: {  	_ = 	snop  }
0x36: {  	[tilespmem:s19], [sflag:$0x1] =	stream.indirect_vreg.gather [hbm4b:s1+s3], $0x80, v3, vm0, $0xb8;
	[tilespmem:$0x8080] =	vst v63  }
0x37: {  	v3 =	vld [tilespmem:$0x30];
	_ =	sdelay $0x4  }
0x38: {  	v35 =	vshll.u32 v3, $0x1  }
0x39: {  	v3 =	vand.u32 $0x7, v3;
	v4 =	vand.u32 $0xFFFFFFF0, v35  }
0x3a: {  	v3 =	vor.u32 v3, v4  }
0x3b: {  	v4 =	vperm.xlane v3, v0;
	_ =	sdelay $0x1  }
0x3c: {  	v3 =	vperm.xlane v3, v2;
	v4 =	vadd.s32 v1, v4;
	_ =	sdelay $0x1  }
0x3d: {  	v3 =	vadd.s32 v1, v3;
	_ =	sdelay $0x2  }
0x3e: {  	[tilespmem:s20], [sflag:$0x1] =	stream.indirect_vreg.gather [hbm4b:s1+s3], $0x80, v4, vm0, $0xb8;
	[tilespmem:$0x8080] =	vst v63  }
0x3f: {  	_ = 	snop  }
0x40: {  	[tilespmem:s21], [sflag:$0x1] =	stream.indirect_vreg.gather [hbm4b:s1+s3], $0x80, v3, vm0, $0xb8;
	[tilespmem:$0x8080] =	vst v63  }
0x41: {  	v3 =	vld [tilespmem:$0x40];
	_ =	sdelay $0x4  }
0x42: {  	v36 =	vshll.u32 v3, $0x1  }
0x43: {  	v3 =	vand.u32 $0x7, v3;
	v4 =	vand.u32 $0xFFFFFFF0, v36  }
0x44: {  	v3 =	vor.u32 v3, v4  }
0x45: {  	v4 =	vperm.xlane v3, v0;
	_ =	sdelay $0x1  }
0x46: {  	v3 =	vperm.xlane v3, v2;
	v4 =	vadd.s32 v1, v4;
	_ =	sdelay $0x1  }
0x47: {  	v3 =	vadd.s32 v1, v3;
	_ =	sdelay $0x2  }
0x48: {  	[tilespmem:s22], [sflag:$0x1] =	stream.indirect_vreg.gather [hbm4b:s1+s3], $0x80, v4, vm0, $0xb8;
	[tilespmem:$0x8080] =	vst v63  }
0x49: {  	_ = 	snop  }
0x4a: {  	[tilespmem:s23], [sflag:$0x1] =	stream.indirect_vreg.gather [hbm4b:s1+s3], $0x80, v3, vm0, $0xb8;
	[tilespmem:$0x8080] =	vst v63  }
0x4b: {  	v3 =	vld [tilespmem:$0x50];
	_ =	sdelay $0x4  }
0x4c: {  	v37 =	vshll.u32 v3, $0x1  }
0x4d: {  	v3 =	vand.u32 $0x7, v3;
	v4 =	vand.u32 $0xFFFFFFF0, v37  }
0x4e: {  	v3 =	vor.u32 v3, v4  }
0x4f: {  	v4 =	vperm.xlane v3, v0;
	_ =	sdelay $0x1  }
0x50: {  	v3 =	vperm.xlane v3, v2;
	v4 =	vadd.s32 v1, v4;
	_ =	sdelay $0x1  }
0x51: {  	v3 =	vadd.s32 v1, v3;
	_ =	sdelay $0x2  }
0x52: {  	[tilespmem:s24], [sflag:$0x1] =	stream.indirect_vreg.gather [hbm4b:s1+s3], $0x80, v4, vm0, $0xb8;
	[tilespmem:$0x8080] =	vst v63  }
0x53: {  	_ = 	snop  }
0x54: {  	[tilespmem:s25], [sflag:$0x1] =	stream.indirect_vreg.gather [hbm4b:s1+s3], $0x80, v3, vm0, $0xb8;
	[tilespmem:$0x8080] =	vst v63  }
0x55: {  	v3 =	vld [tilespmem:$0x60];
	_ =	sdelay $0x4  }
0x56: {  	v38 =	vshll.u32 v3, $0x1  }
0x57: {  	v3 =	vand.u32 $0x7, v3;
	v4 =	vand.u32 $0xFFFFFFF0, v38  }
0x58: {  	v3 =	vor.u32 v3, v4  }
0x59: {  	v4 =	vperm.xlane v3, v0;
	_ =	sdelay $0x1  }
0x5a: {  	v3 =	vperm.xlane v3, v2;
	v4 =	vadd.s32 v1, v4;
	_ =	sdelay $0x1  }
0x5b: {  	v3 =	vadd.s32 v1, v3;
	_ =	sdelay $0x2  }
0x5c: {  	[tilespmem:s26], [sflag:$0x1] =	stream.indirect_vreg.gather [hbm4b:s1+s3], $0x80, v4, vm0, $0xb8;
	[tilespmem:$0x8080] =	vst v63  }
0x5d: {  	_ = 	snop  }
0x5e: {  	[tilespmem:s28], [sflag:$0x1] =	stream.indirect_vreg.gather [hbm4b:s1+s3], $0x80, v3, vm0, $0xb8;
	[tilespmem:$0x8080] =	vst v63  }
0x5f: {  	v3 =	vld [tilespmem:$0x70];
	_ =	sdelay $0x4  }
0x60: {  	v39 =	vshll.u32 v3, $0x1  }
0x61: {  	v3 =	vand.u32 $0x7, v3;
	v4 =	vand.u32 $0xFFFFFFF0, v39  }
0x62: {  	v3 =	vor.u32 v3, v4  }
0x63: {  	v4 =	vperm.xlane v3, v0;
	_ =	sdelay $0x1  }
0x64: {  	v3 =	vperm.xlane v3, v2;
	v4 =	vadd.s32 v1, v4;
	_ =	sdelay $0x1  }
0x65: {  	v3 =	vadd.s32 v1, v3;
	_ =	sdelay $0x2  }
0x66: {  	[tilespmem:s29], [sflag:$0x1] =	stream.indirect_vreg.gather [hbm4b:s1+s3], $0x80, v4, vm0, $0xb8;
	[tilespmem:$0x8080] =	vst v63  }
0x67: {  	_ = 	snop  }
0x68: {  	[tilespmem:s30], [sflag:$0x1] =	stream.indirect_vreg.gather [hbm4b:s1+s3], $0x80, v3, vm0, $0xb8;
	[tilespmem:$0x8080] =	vst v63  }
0x69: {  	_ =	swait.ge [sflag:s31], $0x8000  }
0x6a: {  	[sflag:s31] =	ssyncset.done $0x0  }
0x6b: {  	[sflag:s31] =	ssyncadd.s32 $0xFFFF8000  }
0x6c: {  	[hbm4b:s5+s3] =	stream.linear.scatter [tilespmem:s14], [sflag:$0x2], $0x8000, $0x38;
	[tilespmem:$0x8080] =	vst v63  }
0x6d: {  	_ =	swait.ge [sflag:s13], $0x8000  }
0x6e: {  	[sflag:s13] =	ssyncset.done $0x0  }
0x6f: {  	[sflag:s13] =	ssyncadd.s32 $0xFFFF8000  }
0x70: {  	[tilespmem:s3], [sflag:$0x2] =	stream.linear.gather [hbm4b:s6+s3], $0x80, $0x38;
	[tilespmem:$0x8080] =	vst v63  }
0x71: {  	_ =	swait.ge [sflag:s13], $0x80  }
0x72: {  	[sflag:s13] =	ssyncset.done $0x0  }
0x73: {  	[sflag:s13] =	ssyncadd.s32 $0xFFFFFF80  }
0x74: {  	v3 =	vld [tilespmem:$0x0];
	_ =	sdelay $0x4  }
0x75: {  	v40 =	vshll.u32 v3, $0x1  }
0x76: {  	v3 =	vand.u32 $0x7, v3;
	v4 =	vand.u32 $0xFFFFFFF0, v40  }
0x77: {  	v3 =	vor.u32 v3, v4  }
0x78: {  	v4 =	vperm.xlane v3, v0;
	_ =	sdelay $0x1  }
0x79: {  	v3 =	vperm.xlane v3, v2;
	v4 =	vadd.s32 v1, v4;
	_ =	sdelay $0x1  }
0x7a: {  	v3 =	vadd.s32 v1, v3;
	_ =	sdelay $0x2  }
0x7b: {  	[tilespmem:s14], [sflag:$0x1] =	stream.indirect_vreg.gather [hbm4b:s1+s3], $0x80, v4, vm0, $0xb8;
	[tilespmem:$0x8080] =	vst v63  }
0x7c: {  	_ = 	snop  }
0x7d: {  	[tilespmem:s15], [sflag:$0x1] =	stream.indirect_vreg.gather [hbm4b:s1+s3], $0x80, v3, vm0, $0xb8;
	[tilespmem:$0x8080] =	vst v63  }
0x7e: {  	v3 =	vld [tilespmem:$0x10];
	_ =	sdelay $0x4  }
0x7f: {  	v41 =	vshll.u32 v3, $0x1  }
0x80: {  	v3 =	vand.u32 $0x7, v3;
	v4 =	vand.u32 $0xFFFFFFF0, v41  }
0x81: {  	v3 =	vor.u32 v3, v4  }
0x82: {  	v4 =	vperm.xlane v3, v0;
	_ =	sdelay $0x1  }
0x83: {  	v3 =	vperm.xlane v3, v2;
	v4 =	vadd.s32 v1, v4;
	_ =	sdelay $0x1  }
0x84: {  	v3 =	vadd.s32 v1, v3;
	_ =	sdelay $0x2  }
0x85: {  	[tilespmem:s16], [sflag:$0x1] =	stream.indirect_vreg.gather [hbm4b:s1+s3], $0x80, v4, vm0, $0xb8;
	[tilespmem:$0x8080] =	vst v63  }
0x86: {  	_ = 	snop  }
0x87: {  	[tilespmem:s17], [sflag:$0x1] =	stream.indirect_vreg.gather [hbm4b:s1+s3], $0x80, v3, vm0, $0xb8;
	[tilespmem:$0x8080] =	vst v63  }
0x88: {  	v3 =	vld [tilespmem:$0x20];
	_ =	sdelay $0x4  }
0x89: {  	v42 =	vshll.u32 v3, $0x1  }
0x8a: {  	v3 =	vand.u32 $0x7, v3;
	v4 =	vand.u32 $0xFFFFFFF0, v42  }
0x8b: {  	v3 =	vor.u32 v3, v4  }
0x8c: {  	v4 =	vperm.xlane v3, v0;
	_ =	sdelay $0x1  }
0x8d: {  	v3 =	vperm.xlane v3, v2;
	v4 =	vadd.s32 v1, v4;
	_ =	sdelay $0x1  }
0x8e: {  	v3 =	vadd.s32 v1, v3;
	_ =	sdelay $0x2  }
0x8f: {  	[tilespmem:s18], [sflag:$0x1] =	stream.indirect_vreg.gather [hbm4b:s1+s3], $0x80, v4, vm0, $0xb8;
	[tilespmem:$0x8080] =	vst v63  }
0x90: {  	_ = 	snop  }
0x91: {  	[tilespmem:s19], [sflag:$0x1] =	stream.indirect_vreg.gather [hbm4b:s1+s3], $0x80, v3, vm0, $0xb8;
	[tilespmem:$0x8080] =	vst v63  }
0x92: {  	v3 =	vld [tilespmem:$0x30];
	_ =	sdelay $0x4  }
0x93: {  	v43 =	vshll.u32 v3, $0x1  }
0x94: {  	v3 =	vand.u32 $0x7, v3;
	v4 =	vand.u32 $0xFFFFFFF0, v43  }
0x95: {  	v3 =	vor.u32 v3, v4  }
0x96: {  	v4 =	vperm.xlane v3, v0;
	_ =	sdelay $0x1  }
0x97: {  	v3 =	vperm.xlane v3, v2;
	v4 =	vadd.s32 v1, v4;
	_ =	sdelay $0x1  }
0x98: {  	v3 =	vadd.s32 v1, v3;
	_ =	sdelay $0x2  }
0x99: {  	[tilespmem:s20], [sflag:$0x1] =	stream.indirect_vreg.gather [hbm4b:s1+s3], $0x80, v4, vm0, $0xb8;
	[tilespmem:$0x8080] =	vst v63  }
0x9a: {  	_ = 	snop  }
0x9b: {  	[tilespmem:s21], [sflag:$0x1] =	stream.indirect_vreg.gather [hbm4b:s1+s3], $0x80, v3, vm0, $0xb8;
	[tilespmem:$0x8080] =	vst v63  }
0x9c: {  	v3 =	vld [tilespmem:$0x40];
	_ =	sdelay $0x4  }
0x9d: {  	v44 =	vshll.u32 v3, $0x1  }
0x9e: {  	v3 =	vand.u32 $0x7, v3;
	v4 =	vand.u32 $0xFFFFFFF0, v44  }
0x9f: {  	v3 =	vor.u32 v3, v4  }
0xa0: {  	v4 =	vperm.xlane v3, v0;
	_ =	sdelay $0x1  }
0xa1: {  	v3 =	vperm.xlane v3, v2;
	v4 =	vadd.s32 v1, v4;
	_ =	sdelay $0x1  }
0xa2: {  	v3 =	vadd.s32 v1, v3;
	_ =	sdelay $0x2  }
0xa3: {  	[tilespmem:s22], [sflag:$0x1] =	stream.indirect_vreg.gather [hbm4b:s1+s3], $0x80, v4, vm0, $0xb8;
	[tilespmem:$0x8080] =	vst v63  }
0xa4: {  	_ = 	snop  }
0xa5: {  	[tilespmem:s23], [sflag:$0x1] =	stream.indirect_vreg.gather [hbm4b:s1+s3], $0x80, v3, vm0, $0xb8;
	[tilespmem:$0x8080] =	vst v63  }
0xa6: {  	v3 =	vld [tilespmem:$0x50];
	_ =	sdelay $0x4  }
0xa7: {  	v45 =	vshll.u32 v3, $0x1  }
0xa8: {  	v3 =	vand.u32 $0x7, v3;
	v4 =	vand.u32 $0xFFFFFFF0, v45  }
0xa9: {  	v3 =	vor.u32 v3, v4  }
0xaa: {  	v4 =	vperm.xlane v3, v0;
	_ =	sdelay $0x1  }
0xab: {  	v3 =	vperm.xlane v3, v2;
	v4 =	vadd.s32 v1, v4;
	_ =	sdelay $0x1  }
0xac: {  	v3 =	vadd.s32 v1, v3;
	_ =	sdelay $0x2  }
0xad: {  	[tilespmem:s24], [sflag:$0x1] =	stream.indirect_vreg.gather [hbm4b:s1+s3], $0x80, v4, vm0, $0xb8;
	[tilespmem:$0x8080] =	vst v63  }
0xae: {  	_ = 	snop  }
0xaf: {  	[tilespmem:s25], [sflag:$0x1] =	stream.indirect_vreg.gather [hbm4b:s1+s3], $0x80, v3, vm0, $0xb8;
	[tilespmem:$0x8080] =	vst v63  }
0xb0: {  	v3 =	vld [tilespmem:$0x60];
	_ =	sdelay $0x4  }
0xb1: {  	v46 =	vshll.u32 v3, $0x1  }
0xb2: {  	v3 =	vand.u32 $0x7, v3;
	v4 =	vand.u32 $0xFFFFFFF0, v46  }
0xb3: {  	v3 =	vor.u32 v3, v4  }
0xb4: {  	v4 =	vperm.xlane v3, v0;
	_ =	sdelay $0x1  }
0xb5: {  	v3 =	vperm.xlane v3, v2;
	v4 =	vadd.s32 v1, v4;
	_ =	sdelay $0x1  }
0xb6: {  	v3 =	vadd.s32 v1, v3;
	_ =	sdelay $0x2  }
0xb7: {  	[tilespmem:s26], [sflag:$0x1] =	stream.indirect_vreg.gather [hbm4b:s1+s3], $0x80, v4, vm0, $0xb8;
	[tilespmem:$0x8080] =	vst v63  }
0xb8: {  	_ = 	snop  }
0xb9: {  	[tilespmem:s28], [sflag:$0x1] =	stream.indirect_vreg.gather [hbm4b:s1+s3], $0x80, v3, vm0, $0xb8;
	[tilespmem:$0x8080] =	vst v63  }
0xba: {  	v3 =	vld [tilespmem:$0x70];
	_ =	sdelay $0x4  }
0xbb: {  	v47 =	vshll.u32 v3, $0x1  }
0xbc: {  	v3 =	vand.u32 $0x7, v3;
	v4 =	vand.u32 $0xFFFFFFF0, v47  }
0xbd: {  	v3 =	vor.u32 v3, v4  }
0xbe: {  	v4 =	vperm.xlane v3, v0;
	_ =	sdelay $0x1  }
0xbf: {  	v3 =	vperm.xlane v3, v2;
	v4 =	vadd.s32 v1, v4;
	_ =	sdelay $0x1  }
0xc0: {  	v3 =	vadd.s32 v1, v3;
	_ =	sdelay $0x2  }
0xc1: {  	[tilespmem:s29], [sflag:$0x1] =	stream.indirect_vreg.gather [hbm4b:s1+s3], $0x80, v4, vm0, $0xb8;
	[tilespmem:$0x8080] =	vst v63  }
0xc2: {  	_ = 	snop  }
0xc3: {  	[tilespmem:s30], [sflag:$0x1] =	stream.indirect_vreg.gather [hbm4b:s1+s3], $0x80, v3, vm0, $0xb8;
	[tilespmem:$0x8080] =	vst v63  }
0xc4: {  	_ =	swait.ge [sflag:s31], $0x8000  }
0xc5: {  	[sflag:s31] =	ssyncset.done $0x0  }
0xc6: {  	[sflag:s31] =	ssyncadd.s32 $0xFFFF8000  }
0xc7: {  	[hbm4b:s7+s3] =	stream.linear.scatter [tilespmem:s14], [sflag:$0x2], $0x8000, $0x38;
	[tilespmem:$0x8080] =	vst v63  }
0xc8: {  	_ =	swait.ge [sflag:s13], $0x8000  }
0xc9: {  	[sflag:s13] =	ssyncset.done $0x0  }
0xca: {  	[sflag:s13] =	ssyncadd.s32 $0xFFFF8000  }
0xcb: {  	[tilespmem:s3], [sflag:$0x2] =	stream.linear.gather [hbm4b:s8+s3], $0x80, $0x38;
	[tilespmem:$0x8080] =	vst v63  }
0xcc: {  	_ =	swait.ge [sflag:s13], $0x80  }
0xcd: {  	[sflag:s13] =	ssyncset.done $0x0  }
0xce: {  	[sflag:s13] =	ssyncadd.s32 $0xFFFFFF80  }
0xcf: {  	v3 =	vld [tilespmem:$0x0];
	_ =	sdelay $0x4  }
0xd0: {  	v48 =	vshll.u32 v3, $0x1  }
0xd1: {  	v3 =	vand.u32 $0x7, v3;
	v4 =	vand.u32 $0xFFFFFFF0, v48  }
0xd2: {  	v3 =	vor.u32 v3, v4  }
0xd3: {  	v4 =	vperm.xlane v3, v0;
	_ =	sdelay $0x1  }
0xd4: {  	v3 =	vperm.xlane v3, v2;
	v4 =	vadd.s32 v1, v4;
	_ =	sdelay $0x1  }
0xd5: {  	v3 =	vadd.s32 v1, v3;
	_ =	sdelay $0x2  }
0xd6: {  	[tilespmem:s14], [sflag:$0x1] =	stream.indirect_vreg.gather [hbm4b:s1+s3], $0x80, v4, vm0, $0xb8;
	[tilespmem:$0x8080] =	vst v63  }
0xd7: {  	_ = 	snop  }
0xd8: {  	[tilespmem:s15], [sflag:$0x1] =	stream.indirect_vreg.gather [hbm4b:s1+s3], $0x80, v3, vm0, $0xb8;
	[tilespmem:$0x8080] =	vst v63  }
0xd9: {  	v3 =	vld [tilespmem:$0x10];
	_ =	sdelay $0x4  }
0xda: {  	v49 =	vshll.u32 v3, $0x1  }
0xdb: {  	v3 =	vand.u32 $0x7, v3;
	v4 =	vand.u32 $0xFFFFFFF0, v49  }
0xdc: {  	v3 =	vor.u32 v3, v4  }
0xdd: {  	v4 =	vperm.xlane v3, v0;
	_ =	sdelay $0x1  }
0xde: {  	v3 =	vperm.xlane v3, v2;
	v4 =	vadd.s32 v1, v4;
	_ =	sdelay $0x1  }
0xdf: {  	v3 =	vadd.s32 v1, v3;
	_ =	sdelay $0x2  }
0xe0: {  	[tilespmem:s16], [sflag:$0x1] =	stream.indirect_vreg.gather [hbm4b:s1+s3], $0x80, v4, vm0, $0xb8;
	[tilespmem:$0x8080] =	vst v63  }
0xe1: {  	_ = 	snop  }
0xe2: {  	[tilespmem:s17], [sflag:$0x1] =	stream.indirect_vreg.gather [hbm4b:s1+s3], $0x80, v3, vm0, $0xb8;
	[tilespmem:$0x8080] =	vst v63  }
0xe3: {  	v3 =	vld [tilespmem:$0x20];
	_ =	sdelay $0x4  }
0xe4: {  	v50 =	vshll.u32 v3, $0x1  }
0xe5: {  	v3 =	vand.u32 $0x7, v3;
	v4 =	vand.u32 $0xFFFFFFF0, v50  }
0xe6: {  	v3 =	vor.u32 v3, v4  }
0xe7: {  	v4 =	vperm.xlane v3, v0;
	_ =	sdelay $0x1  }
0xe8: {  	v3 =	vperm.xlane v3, v2;
	v4 =	vadd.s32 v1, v4;
	_ =	sdelay $0x1  }
0xe9: {  	v3 =	vadd.s32 v1, v3;
	_ =	sdelay $0x2  }
0xea: {  	[tilespmem:s18], [sflag:$0x1] =	stream.indirect_vreg.gather [hbm4b:s1+s3], $0x80, v4, vm0, $0xb8;
	[tilespmem:$0x8080] =	vst v63  }
0xeb: {  	_ = 	snop  }
0xec: {  	[tilespmem:s19], [sflag:$0x1] =	stream.indirect_vreg.gather [hbm4b:s1+s3], $0x80, v3, vm0, $0xb8;
	[tilespmem:$0x8080] =	vst v63  }
0xed: {  	v3 =	vld [tilespmem:$0x30];
	_ =	sdelay $0x4  }
0xee: {  	v51 =	vshll.u32 v3, $0x1  }
0xef: {  	v3 =	vand.u32 $0x7, v3;
	v4 =	vand.u32 $0xFFFFFFF0, v51  }
0xf0: {  	v3 =	vor.u32 v3, v4  }
0xf1: {  	v4 =	vperm.xlane v3, v0;
	_ =	sdelay $0x1  }
0xf2: {  	v3 =	vperm.xlane v3, v2;
	v4 =	vadd.s32 v1, v4;
	_ =	sdelay $0x1  }
0xf3: {  	v3 =	vadd.s32 v1, v3;
	_ =	sdelay $0x2  }
0xf4: {  	[tilespmem:s20], [sflag:$0x1] =	stream.indirect_vreg.gather [hbm4b:s1+s3], $0x80, v4, vm0, $0xb8;
	[tilespmem:$0x8080] =	vst v63  }
0xf5: {  	_ = 	snop  }
0xf6: {  	[tilespmem:s21], [sflag:$0x1] =	stream.indirect_vreg.gather [hbm4b:s1+s3], $0x80, v3, vm0, $0xb8;
	[tilespmem:$0x8080] =	vst v63  }
0xf7: {  	v3 =	vld [tilespmem:$0x40];
	_ =	sdelay $0x4  }
0xf8: {  	v52 =	vshll.u32 v3, $0x1  }
0xf9: {  	v3 =	vand.u32 $0x7, v3;
	v4 =	vand.u32 $0xFFFFFFF0, v52  }
0xfa: {  	v3 =	vor.u32 v3, v4  }
0xfb: {  	v4 =	vperm.xlane v3, v0;
	_ =	sdelay $0x1  }
0xfc: {  	v3 =	vperm.xlane v3, v2;
	v4 =	vadd.s32 v1, v4;
	_ =	sdelay $0x1  }
0xfd: {  	v3 =	vadd.s32 v1, v3;
	_ =	sdelay $0x2  }
0xfe: {  	[tilespmem:s22], [sflag:$0x1] =	stream.indirect_vreg.gather [hbm4b:s1+s3], $0x80, v4, vm0, $0xb8;
	[tilespmem:$0x8080] =	vst v63  }
0xff: {  	_ = 	snop  }
0x100: {  	[tilespmem:s23], [sflag:$0x1] =	stream.indirect_vreg.gather [hbm4b:s1+s3], $0x80, v3, vm0, $0xb8;
	[tilespmem:$0x8080] =	vst v63  }
0x101: {  	v3 =	vld [tilespmem:$0x50];
	_ =	sdelay $0x4  }
0x102: {  	v53 =	vshll.u32 v3, $0x1  }
0x103: {  	v3 =	vand.u32 $0x7, v3;
	v4 =	vand.u32 $0xFFFFFFF0, v53  }
0x104: {  	v3 =	vor.u32 v3, v4  }
0x105: {  	v4 =	vperm.xlane v3, v0;
	_ =	sdelay $0x1  }
0x106: {  	v3 =	vperm.xlane v3, v2;
	v4 =	vadd.s32 v1, v4;
	_ =	sdelay $0x1  }
0x107: {  	v3 =	vadd.s32 v1, v3;
	_ =	sdelay $0x2  }
0x108: {  	[tilespmem:s24], [sflag:$0x1] =	stream.indirect_vreg.gather [hbm4b:s1+s3], $0x80, v4, vm0, $0xb8;
	[tilespmem:$0x8080] =	vst v63  }
0x109: {  	_ = 	snop  }
0x10a: {  	[tilespmem:s25], [sflag:$0x1] =	stream.indirect_vreg.gather [hbm4b:s1+s3], $0x80, v3, vm0, $0xb8;
	[tilespmem:$0x8080] =	vst v63  }
0x10b: {  	v3 =	vld [tilespmem:$0x60];
	_ =	sdelay $0x4  }
0x10c: {  	v54 =	vshll.u32 v3, $0x1  }
0x10d: {  	v3 =	vand.u32 $0x7, v3;
	v4 =	vand.u32 $0xFFFFFFF0, v54  }
0x10e: {  	v3 =	vor.u32 v3, v4  }
0x10f: {  	v4 =	vperm.xlane v3, v0;
	_ =	sdelay $0x1  }
0x110: {  	v3 =	vperm.xlane v3, v2;
	v4 =	vadd.s32 v1, v4;
	_ =	sdelay $0x1  }
0x111: {  	v3 =	vadd.s32 v1, v3;
	_ =	sdelay $0x2  }
0x112: {  	[tilespmem:s26], [sflag:$0x1] =	stream.indirect_vreg.gather [hbm4b:s1+s3], $0x80, v4, vm0, $0xb8;
	[tilespmem:$0x8080] =	vst v63  }
0x113: {  	_ = 	snop  }
0x114: {  	[tilespmem:s28], [sflag:$0x1] =	stream.indirect_vreg.gather [hbm4b:s1+s3], $0x80, v3, vm0, $0xb8;
	[tilespmem:$0x8080] =	vst v63  }
0x115: {  	v3 =	vld [tilespmem:$0x70];
	_ =	sdelay $0x4  }
0x116: {  	v55 =	vshll.u32 v3, $0x1  }
0x117: {  	v3 =	vand.u32 $0x7, v3;
	v4 =	vand.u32 $0xFFFFFFF0, v55  }
0x118: {  	v3 =	vor.u32 v3, v4  }
0x119: {  	v4 =	vperm.xlane v3, v0;
	_ =	sdelay $0x1  }
0x11a: {  	v3 =	vperm.xlane v3, v2;
	v4 =	vadd.s32 v1, v4;
	_ =	sdelay $0x1  }
0x11b: {  	v3 =	vadd.s32 v1, v3;
	_ =	sdelay $0x2  }
0x11c: {  	[tilespmem:s29], [sflag:$0x1] =	stream.indirect_vreg.gather [hbm4b:s1+s3], $0x80, v4, vm0, $0xb8;
	[tilespmem:$0x8080] =	vst v63  }
0x11d: {  	_ = 	snop  }
0x11e: {  	[tilespmem:s30], [sflag:$0x1] =	stream.indirect_vreg.gather [hbm4b:s1+s3], $0x80, v3, vm0, $0xb8;
	[tilespmem:$0x8080] =	vst v63  }
0x11f: {  	_ =	swait.ge [sflag:s31], $0x8000  }
0x120: {  	[sflag:s31] =	ssyncset.done $0x0  }
0x121: {  	[sflag:s31] =	ssyncadd.s32 $0xFFFF8000  }
0x122: {  	[hbm4b:s9+s3] =	stream.linear.scatter [tilespmem:s14], [sflag:$0x2], $0x8000, $0x38;
	[tilespmem:$0x8080] =	vst v63  }
0x123: {  	_ =	swait.ge [sflag:s13], $0x8000  }
0x124: {  	[sflag:s13] =	ssyncset.done $0x0  }
0x125: {  	[sflag:s13] =	ssyncadd.s32 $0xFFFF8000  }
0x126: {  	[tilespmem:s3], [sflag:$0x2] =	stream.linear.gather [hbm4b:s10+s3], $0x80, $0x38;
	[tilespmem:$0x8080] =	vst v63  }
0x127: {  	_ =	swait.ge [sflag:s13], $0x80  }
0x128: {  	[sflag:s13] =	ssyncset.done $0x0  }
0x129: {  	[sflag:s13] =	ssyncadd.s32 $0xFFFFFF80  }
0x12a: {  	v3 =	vld [tilespmem:$0x0];
	_ =	sdelay $0x4  }
0x12b: {  	v56 =	vshll.u32 v3, $0x1  }
0x12c: {  	v3 =	vand.u32 $0x7, v3;
	v4 =	vand.u32 $0xFFFFFFF0, v56  }
0x12d: {  	v3 =	vor.u32 v3, v4  }
0x12e: {  	v4 =	vperm.xlane v3, v0;
	_ =	sdelay $0x1  }
0x12f: {  	v3 =	vperm.xlane v3, v2;
	v4 =	vadd.s32 v1, v4;
	_ =	sdelay $0x1  }
0x130: {  	v3 =	vadd.s32 v1, v3;
	_ =	sdelay $0x2  }
0x131: {  	[tilespmem:s14], [sflag:$0x1] =	stream.indirect_vreg.gather [hbm4b:s1+s3], $0x80, v4, vm0, $0xb8;
	[tilespmem:$0x8080] =	vst v63  }
0x132: {  	_ = 	snop  }
0x133: {  	[tilespmem:s15], [sflag:$0x1] =	stream.indirect_vreg.gather [hbm4b:s1+s3], $0x80, v3, vm0, $0xb8;
	[tilespmem:$0x8080] =	vst v63  }
0x134: {  	v3 =	vld [tilespmem:$0x10];
	_ =	sdelay $0x4  }
0x135: {  	v57 =	vshll.u32 v3, $0x1  }
0x136: {  	v3 =	vand.u32 $0x7, v3;
	v4 =	vand.u32 $0xFFFFFFF0, v57  }
0x137: {  	v3 =	vor.u32 v3, v4  }
0x138: {  	v4 =	vperm.xlane v3, v0;
	_ =	sdelay $0x1  }
0x139: {  	v3 =	vperm.xlane v3, v2;
	v4 =	vadd.s32 v1, v4;
	_ =	sdelay $0x1  }
0x13a: {  	v3 =	vadd.s32 v1, v3;
	_ =	sdelay $0x2  }
0x13b: {  	[tilespmem:s16], [sflag:$0x1] =	stream.indirect_vreg.gather [hbm4b:s1+s3], $0x80, v4, vm0, $0xb8;
	[tilespmem:$0x8080] =	vst v63  }
0x13c: {  	_ = 	snop  }
0x13d: {  	[tilespmem:s17], [sflag:$0x1] =	stream.indirect_vreg.gather [hbm4b:s1+s3], $0x80, v3, vm0, $0xb8;
	[tilespmem:$0x8080] =	vst v63  }
0x13e: {  	v3 =	vld [tilespmem:$0x20];
	_ =	sdelay $0x4  }
0x13f: {  	v58 =	vshll.u32 v3, $0x1  }
0x140: {  	v3 =	vand.u32 $0x7, v3;
	v4 =	vand.u32 $0xFFFFFFF0, v58  }
0x141: {  	v3 =	vor.u32 v3, v4  }
0x142: {  	v4 =	vperm.xlane v3, v0;
	_ =	sdelay $0x1  }
0x143: {  	v3 =	vperm.xlane v3, v2;
	v4 =	vadd.s32 v1, v4;
	_ =	sdelay $0x1  }
0x144: {  	v3 =	vadd.s32 v1, v3;
	_ =	sdelay $0x2  }
0x145: {  	[tilespmem:s18], [sflag:$0x1] =	stream.indirect_vreg.gather [hbm4b:s1+s3], $0x80, v4, vm0, $0xb8;
	[tilespmem:$0x8080] =	vst v63  }
0x146: {  	_ = 	snop  }
0x147: {  	[tilespmem:s19], [sflag:$0x1] =	stream.indirect_vreg.gather [hbm4b:s1+s3], $0x80, v3, vm0, $0xb8;
	[tilespmem:$0x8080] =	vst v63  }
0x148: {  	v3 =	vld [tilespmem:$0x30];
	_ =	sdelay $0x4  }
0x149: {  	v59 =	vshll.u32 v3, $0x1  }
0x14a: {  	v3 =	vand.u32 $0x7, v3;
	v4 =	vand.u32 $0xFFFFFFF0, v59  }
0x14b: {  	v3 =	vor.u32 v3, v4  }
0x14c: {  	v4 =	vperm.xlane v3, v0;
	_ =	sdelay $0x1  }
0x14d: {  	v3 =	vperm.xlane v3, v2;
	v4 =	vadd.s32 v1, v4;
	_ =	sdelay $0x1  }
0x14e: {  	v3 =	vadd.s32 v1, v3;
	_ =	sdelay $0x2  }
0x14f: {  	[tilespmem:s20], [sflag:$0x1] =	stream.indirect_vreg.gather [hbm4b:s1+s3], $0x80, v4, vm0, $0xb8;
	[tilespmem:$0x8080] =	vst v63  }
0x150: {  	_ = 	snop  }
0x151: {  	[tilespmem:s21], [sflag:$0x1] =	stream.indirect_vreg.gather [hbm4b:s1+s3], $0x80, v3, vm0, $0xb8;
	[tilespmem:$0x8080] =	vst v63  }
0x152: {  	v3 =	vld [tilespmem:$0x40];
	_ =	sdelay $0x4  }
0x153: {  	v60 =	vshll.u32 v3, $0x1  }
0x154: {  	v3 =	vand.u32 $0x7, v3;
	v4 =	vand.u32 $0xFFFFFFF0, v60  }
0x155: {  	v3 =	vor.u32 v3, v4  }
0x156: {  	v4 =	vperm.xlane v3, v0;
	_ =	sdelay $0x1  }
0x157: {  	v3 =	vperm.xlane v3, v2;
	v4 =	vadd.s32 v1, v4;
	_ =	sdelay $0x1  }
0x158: {  	v3 =	vadd.s32 v1, v3;
	_ =	sdelay $0x2  }
0x159: {  	[tilespmem:s22], [sflag:$0x1] =	stream.indirect_vreg.gather [hbm4b:s1+s3], $0x80, v4, vm0, $0xb8;
	[tilespmem:$0x8080] =	vst v63  }
0x15a: {  	_ = 	snop  }
0x15b: {  	[tilespmem:s23], [sflag:$0x1] =	stream.indirect_vreg.gather [hbm4b:s1+s3], $0x80, v3, vm0, $0xb8;
	[tilespmem:$0x8080] =	vst v63  }
0x15c: {  	v3 =	vld [tilespmem:$0x50];
	_ =	sdelay $0x4  }
0x15d: {  	v61 =	vshll.u32 v3, $0x1  }
0x15e: {  	v3 =	vand.u32 $0x7, v3;
	v4 =	vand.u32 $0xFFFFFFF0, v61  }
0x15f: {  	v3 =	vor.u32 v3, v4  }
0x160: {  	v4 =	vperm.xlane v3, v0;
	_ =	sdelay $0x1  }
0x161: {  	v3 =	vperm.xlane v3, v2;
	v4 =	vadd.s32 v1, v4;
	_ =	sdelay $0x1  }
0x162: {  	v3 =	vadd.s32 v1, v3;
	_ =	sdelay $0x2  }
0x163: {  	[tilespmem:s24], [sflag:$0x1] =	stream.indirect_vreg.gather [hbm4b:s1+s3], $0x80, v4, vm0, $0xb8;
	[tilespmem:$0x8080] =	vst v63  }
0x164: {  	_ = 	snop  }
0x165: {  	[tilespmem:s25], [sflag:$0x1] =	stream.indirect_vreg.gather [hbm4b:s1+s3], $0x80, v3, vm0, $0xb8;
	[tilespmem:$0x8080] =	vst v63  }
0x166: {  	v3 =	vld [tilespmem:$0x60];
	_ =	sdelay $0x4  }
0x167: {  	v62 =	vshll.u32 v3, $0x1  }
0x168: {  	v3 =	vand.u32 $0x7, v3;
	v4 =	vand.u32 $0xFFFFFFF0, v62  }
0x169: {  	v3 =	vor.u32 v3, v4  }
0x16a: {  	v4 =	vperm.xlane v3, v0;
	_ =	sdelay $0x1  }
0x16b: {  	v3 =	vperm.xlane v3, v2;
	v4 =	vadd.s32 v1, v4;
	_ =	sdelay $0x1  }
0x16c: {  	v3 =	vadd.s32 v1, v3;
	_ =	sdelay $0x2  }
0x16d: {  	[tilespmem:s26], [sflag:$0x1] =	stream.indirect_vreg.gather [hbm4b:s1+s3], $0x80, v4, vm0, $0xb8;
	[tilespmem:$0x8080] =	vst v63  }
0x16e: {  	_ = 	snop  }
0x16f: {  	[tilespmem:s28], [sflag:$0x1] =	stream.indirect_vreg.gather [hbm4b:s1+s3], $0x80, v3, vm0, $0xb8;
	[tilespmem:$0x8080] =	vst v63  }
0x170: {  	v3 =	vld [tilespmem:$0x70];
	_ =	sdelay $0x4  }
0x171: {  	v63 =	vshll.u32 v3, $0x1  }
0x172: {  	v3 =	vand.u32 $0x7, v3;
	v4 =	vand.u32 $0xFFFFFFF0, v63  }
0x173: {  	v3 =	vor.u32 v3, v4  }
0x174: {  	v4 =	vperm.xlane v3, v0;
	_ =	sdelay $0x1  }
0x175: {  	v3 =	vperm.xlane v3, v2;
	v4 =	vadd.s32 v1, v4;
	_ =	sdelay $0x1  }
0x176: {  	v3 =	vadd.s32 v1, v3;
	_ =	sdelay $0x2  }
0x177: {  	[tilespmem:s29], [sflag:$0x1] =	stream.indirect_vreg.gather [hbm4b:s1+s3], $0x80, v4, vm0, $0xb8;
	[tilespmem:$0x8080] =	vst v63  }
0x178: {  	_ = 	snop  }
0x179: {  	[tilespmem:s30], [sflag:$0x1] =	stream.indirect_vreg.gather [hbm4b:s1+s3], $0x80, v3, vm0, $0xb8;
	[tilespmem:$0x8080] =	vst v63  }
0x17a: {  	_ =	swait.ge [sflag:s31], $0x8000  }
0x17b: {  	p0 =	sne.s32 s12, $0x1;
	[sflag:s31] =	ssyncset.done $0x0  }
.Ltmp0:
0x17c: {  	[sflag:s31] =	ssyncadd.s32 $0xFFFF8000;
	(pc) =	sbr.rel @p0 .LBB2_1-.Ltmp0, $4  }
0x17d: {  	[hbm4b:s11+s3] =	stream.linear.scatter [tilespmem:s14], [sflag:$0x2], $0x8000, $0x38;
	[tilespmem:$0x8080] =	vst v63  }
0x17e: {  	_ =	swait.ge [sflag:s13], $0x8000  }
0x17f: {  	[sflag:s13] =	ssyncset.done $0x0  }
0x180: {  	s12 =	sadd.s32 $0xFFFFFFFF, s12;
	[sflag:s13] =	ssyncadd.s32 $0xFFFF8000  }
0x181: {  	_ =	sfence.sel $0x180000  }
0x182: {  	[bflag:$0x0] =	sbarrier.arrive $0xFFFF  }
0x183: {  	p0 =	sne.s32 s2, $0x0;
	_ =	strace $0x90000047  }
0x184: {  	s0 =	sadd.s32 @!p0 $0x100000, s0;
	[bflag:$0x2] =	sbarrier.arrive $0xFFFF  }
0x185: {  	[sflag:s0] =	ssyncadd.tile.s32 @!p0 $0x1;
	_ =	shalt  }
.Lfunc_end2:
_tile_overlayer_lowered:
.L_overlay_start_2:
0x186: {  	(tag) =	ssettag $0x2  }
0x187: {  	s0 =	rddreg [dreg:$0x0];
	s2 =	stileid.u32  }
0x188: {  	s1 =	rddreg [dreg:$0x1];
	p0 =	sne.s32 s2, $0x0  }
0x189: {  	s3 =	rddreg [dreg:$0x2];
	[bflag:$0x3] =	sbarrier.arrive $0xFFFF;
	s2 =	simm.s32 @!p0 $0x1C02  }
0x18a: {  	[timem:s3], [sflag:s2] =	dma.local @!p0 [hbm:s0], s1  }
0x18b: {  	s0 =	simm.s32 @!p0 $0x2  }
0x18c: {  	_ =	swait.ge @!p0 [sflag:s0], s1  }
0x18d: {  	s1 =	ssub.s32 @!p0 $0x0, s1;
	[sflag:s0] =	ssyncset.done @!p0 $0x0  }
0x18e: {  	[sflag:s0] =	ssyncadd.s32 @!p0 s1  }
0x18f: {  	[bflag:$0x3] =	sbarrier.arrive $0xFFFF  }
0x190: {  	_ =	shalt  }

</sc_bundles>
